<compile_context>
chip_gen: v7x
topology: tpu7x:2x2x1
jax: 0.10.2.dev20260603
libtpu: 0.0.44.dev20260713+nightly
codegen_flags: <defaults>
</compile_context>

<pallas_src>
import jax
import jax.numpy as jnp
from jax import lax
from jax.experimental import pallas as pl
from jax.experimental.pallas import tpu as pltpu
from jax.experimental.pallas import tpu_sc as plsc

NUM_EMBEDDINGS = 1024
EMBEDDING_DIM = 32
COMMITMENT_COST = 0.25
TOPO_WEIGHT = 0.35
GRID_SIZE = 32
BATCH = 64
H = 32
W_SP = 32
PIX = H * W_SP
B_BLK = 8
PIXB = B_BLK * PIX
N_STEPS = BATCH // B_BLK
N_TOTAL = BATCH * PIX * EMBEDDING_DIM
EXT_ROWS = 8

NC = 2
NS = 16
LANES = 16
N_WORKERS = NC * NS
IMGS_PER_W = BATCH // N_WORKERS


def _vq_kernel(z_ref, w_ref, idx_ref, vq_ref, topo_ref, wn_ref,
               w2_ref, ext_ref, dacc_ref):
    pid = pl.program_id(0)

    @pl.when(pid == 0)
    def _prologue():
        w = w_ref[...]
        w_norm2 = jnp.sum(w * w, axis=1, keepdims=True)
        w_n = w / jnp.maximum(jnp.sqrt(w_norm2), 1e-12)
        wn_ref[...] = w_n
        w2_ref[...] = -2.0 * w_n
        ids = lax.broadcasted_iota(jnp.int32, (1, NUM_EMBEDDINGS), 1)
        ext_ref[0:1, :] = jnp.ones((1, NUM_EMBEDDINGS), jnp.float32)
        ext_ref[1:2, :] = (ids // 8).astype(jnp.float32)
        ext_ref[2:3, :] = (ids % 8).astype(jnp.float32)
        ext_ref[3:8, :] = jnp.zeros((5, NUM_EMBEDDINGS), jnp.float32)
        dacc_ref[...] = jnp.zeros((1, PIXB), jnp.float32)
        g = w_n.reshape(GRID_SIZE, GRID_SIZE, EMBEDDING_DIM)
        dh = g[:, 1:, :] - g[:, :-1, :]
        dv = g[1:, :, :] - g[:-1, :, :]
        wh = g[:, 0, :] - g[:, -1, :]
        wv = g[0, :, :] - g[-1, :, :]
        t = (jnp.sum(dh * dh) / dh.size + jnp.sum(dv * dv) / dv.size
             + jnp.sum(wh * wh) / wh.size + jnp.sum(wv * wv) / wv.size)
        topo_ref[...] = (TOPO_WEIGHT * t).reshape(1, 1)

    z = jnp.concatenate([z_ref[b] for b in range(B_BLK)], axis=1)
    z_norm2 = jnp.sum(z * z, axis=0, keepdims=True)
    z_n = z / jnp.maximum(jnp.sqrt(z_norm2), 1e-12)

    d = 2.0 + jnp.dot(w2_ref[...], z_n, preferred_element_type=jnp.float32)
    d_min = jnp.min(d, axis=0, keepdims=True)
    onehot = (d == d_min).astype(jnp.float32)

    acc = jnp.dot(ext_ref[...], onehot, preferred_element_type=jnp.float32)
    inv = 1.0 / acc[0:1, :]
    idx = ((8.0 * acc[1:2, :] + acc[2:3, :]) * inv).astype(jnp.int32)

    for b in range(B_BLK):
        idx_ref[b] = idx[:, b * PIX:(b + 1) * PIX]

    dacc_ref[...] += d_min

    @pl.when(pid == N_STEPS - 1)
    def _epilogue():
        sq = jnp.sum(dacc_ref[...])
        vq_ref[...] = (sq * ((1.0 + COMMITMENT_COST) / N_TOTAL)).reshape(1, 1)


def _sc_gather(w_hbm, idx_hbm, zq_hbm, table_v, idx_v, out_v):
    c = lax.axis_index("c")
    s = lax.axis_index("s")
    wid = s * NC + c
    pltpu.sync_copy(w_hbm, table_v)
    for k in range(IMGS_PER_W):
        b = wid * IMGS_PER_W + k
        pltpu.sync_copy(idx_hbm.at[b], idx_v)

        def chunk_body(i, carry):
            pi = idx_v[pl.ds(i * LANES, LANES)]
            base = pi * EMBEDDING_DIM
            for dd in range(EMBEDDING_DIM):
                out_v[dd, pl.ds(i * LANES, LANES)] = plsc.load_gather(
                    table_v, [base + dd])
            return carry

        lax.fori_loop(0, PIX // LANES, chunk_body, 0)
        pltpu.sync_copy(out_v, zq_hbm.at[b])


def kernel(z_e, W):
    z_flat = z_e.reshape(BATCH, EMBEDDING_DIM, PIX)
    idx, vq, topo, w_n = pl.pallas_call(
        _vq_kernel,
        grid=(N_STEPS,),
        in_specs=[
            pl.BlockSpec((B_BLK, EMBEDDING_DIM, PIX), lambda i: (i, 0, 0)),
            pl.BlockSpec((NUM_EMBEDDINGS, EMBEDDING_DIM), lambda i: (0, 0)),
        ],
        out_specs=[
            pl.BlockSpec((B_BLK, 1, PIX), lambda i: (i, 0, 0)),
            pl.BlockSpec((1, 1), lambda i: (0, 0)),
            pl.BlockSpec((1, 1), lambda i: (0, 0)),
            pl.BlockSpec((NUM_EMBEDDINGS, EMBEDDING_DIM), lambda i: (0, 0)),
        ],
        out_shape=[
            jax.ShapeDtypeStruct((BATCH, 1, PIX), jnp.int32),
            jax.ShapeDtypeStruct((1, 1), jnp.float32),
            jax.ShapeDtypeStruct((1, 1), jnp.float32),
            jax.ShapeDtypeStruct((NUM_EMBEDDINGS, EMBEDDING_DIM), jnp.float32),
        ],
        scratch_shapes=[
            pltpu.VMEM((NUM_EMBEDDINGS, EMBEDDING_DIM), jnp.float32),
            pltpu.VMEM((EXT_ROWS, NUM_EMBEDDINGS), jnp.float32),
            pltpu.VMEM((1, PIXB), jnp.float32),
        ],
    )(z_flat, W)

    idx2 = idx.reshape(BATCH, PIX)
    mesh = plsc.VectorSubcoreMesh(core_axis_name="c", subcore_axis_name="s")
    zq = pl.kernel(
        _sc_gather,
        out_type=jax.ShapeDtypeStruct((BATCH, EMBEDDING_DIM, PIX),
                                      jnp.float32),
        mesh=mesh,
        compiler_params=pltpu.CompilerParams(needs_layout_passes=False),
        scratch_types=[
            pltpu.VMEM((NUM_EMBEDDINGS * EMBEDDING_DIM,), jnp.float32),
            pltpu.VMEM((PIX,), jnp.int32),
            pltpu.VMEM((EMBEDDING_DIM, PIX), jnp.float32),
        ],
    )(w_n.reshape(NUM_EMBEDDINGS * EMBEDDING_DIM), idx2)

    return (zq.reshape(BATCH, EMBEDDING_DIM, H, W_SP), vq.reshape(()),
            idx.reshape(BATCH, H, W_SP), topo.reshape(()))

# --- scband reference (transcript-rebuilt; emitter-appended) ---
"""Pipeline reference for scband-vector-quantizer-35399120454175 (READ-ONLY COPY).

The authoritative reference and input builder live on the scoring server;
editing this copy changes nothing except your own understanding.
"""

import jax, jax.numpy as jnp
import numpy as np

NUM_EMBEDDINGS = 1024
EMBEDDING_DIM = 32
COMMITMENT_COST = 0.25
TOPO_WEIGHT = 0.35
GRID_SIZE = int(np.sqrt(NUM_EMBEDDINGS))


def l2_normalize(x, axis=-1, eps=1e-12):
    norm = jnp.linalg.norm(x, axis=axis, keepdims=True)
    return x / jnp.clip(norm, eps, None)


def mse(a, b):
    return jnp.mean((a - b) ** 2)


def setup_inputs(seed: int = 0) -> dict:
    key = jax.random.key(seed)
    k1, k2 = jax.random.split(key)
    z_e = jax.random.normal(k1, (64, EMBEDDING_DIM, 32, 32), dtype=jnp.float32)
    W = jax.random.normal(k2, (NUM_EMBEDDINGS, EMBEDDING_DIM), dtype=jnp.float32) * (1.0 / NUM_EMBEDDINGS)
    return {"z_e": z_e, "W": W}


def reference(z_e, W):
    # permute (0,2,3,1)
    z = jnp.transpose(z_e, (0, 2, 3, 1))
    input_shape = z.shape
    flat_z_e = l2_normalize(z.reshape(-1, EMBEDDING_DIM))
    # no_grad block
    norm_weight_nograd = jax.lax.stop_gradient(l2_normalize(W))
    distances = 2.0 - 2.0 * jnp.matmul(flat_z_e, norm_weight_nograd.T)
    encoding_indices = jnp.argmin(distances, axis=1)
    norm_weight = l2_normalize(W)
    z_q = jnp.take(norm_weight, encoding_indices, axis=0).reshape(input_shape)
    z_e_norm = flat_z_e.reshape(input_shape)
    loss_commit = mse(jax.lax.stop_gradient(z_q), z_e_norm)
    loss_dict = mse(z_q, jax.lax.stop_gradient(z_e_norm))
    vq_loss = loss_dict + COMMITMENT_COST * loss_commit
    grid_w = norm_weight.reshape(GRID_SIZE, GRID_SIZE, EMBEDDING_DIM)
    loss_topo = mse(grid_w[:, 1:, :], grid_w[:, :-1, :]) + mse(grid_w[1:, :, :], grid_w[:-1, :, :])
    loss_topo = loss_topo + mse(grid_w[:, 0, :], grid_w[:, -1, :]) + mse(grid_w[0, :, :], grid_w[-1, :, :])
    loss_topo = loss_topo * TOPO_WEIGHT
    # straight-through estimator
    z_q_st = z_e_norm + jax.lax.stop_gradient(z_q - z_e_norm)
    z_q_out = jnp.transpose(z_q_st, (0, 3, 1, 2))
    idx_out = encoding_indices.reshape(input_shape[0], input_shape[1], input_shape[2])
    return (z_q_out, vq_loss, idx_out, loss_topo)

if __name__ == "__main__":
    import jax
    _d = setup_inputs()
    print(jax.jit(kernel)(*tuple(_d.values())))

</pallas_src>

<mosaic_0001>
#map = affine_map<(d0, d1) -> (0)>
#map1 = affine_map<(d0, d1) -> (0, 0)>
#map2 = affine_map<(d0, d1) -> (0, 0, 0)>
module attributes {stable_mosaic.version = 14 : i64} {
  func.func @_sc_gather(%arg0: i32, %arg1: i32, %arg2: memref<32768xf32, #tpu.memory_space<hbm>>, %arg3: memref<64x1024xi32, #tpu.memory_space<hbm>>, %arg4: memref<64x32x1024xf32, #tpu.memory_space<hbm>>, %arg5: memref<32768xf32, #tpu.memory_space<vmem>>, %arg6: memref<1024xi32, #tpu.memory_space<vmem>>, %arg7: memref<32x1024xf32, #tpu.memory_space<vmem>>) attributes {dimension_semantics = [#tpu.dimension_semantics<core_parallel>, #tpu.dimension_semantics<subcore_parallel>], iteration_bounds = array<i64: 2, 16>, scalar_prefetch = 0 : i64, scratch_operands = 3 : i64, tpu.core_type = #tpu.core_type<sc_vector_subcore>, window_params = [{transform_indices = #map}, {transform_indices = #map1}, {transform_indices = #map2}]} {
    %mul3A = arith.constant 2 : i32
    %mul3A_0 = arith.muli %arg1, %mul3A : i32
    %add3A = arith.addi %mul3A_0, %arg0 : i32
    "tpu.region"() ({
      %run_scoped3A = tpu.sem_alloc : memref<!tpu.dma_semaphore, #tpu.memory_space<semaphore_mem>>
      tpu.enqueue_dma source(%arg2 : memref<32768xf32, #tpu.memory_space<hbm>>) target(%arg5 : memref<32768xf32, #tpu.memory_space<vmem>>) target_semaphore(%run_scoped3A : memref<!tpu.dma_semaphore, #tpu.memory_space<semaphore_mem>>)
      tpu.wait_dma2 semaphore(%run_scoped3A : memref<!tpu.dma_semaphore, #tpu.memory_space<semaphore_mem>>) src(%arg2 : memref<32768xf32, #tpu.memory_space<hbm>>) dst(%arg5 : memref<32768xf32, #tpu.memory_space<vmem>>)
      tpu.yield
    }) : () -> ()
    %mul3A_1 = arith.constant 2 : i32
    %mul3A_2 = arith.muli %add3A, %mul3A_1 : i32
    %add3A_3 = arith.constant 0 : i32
    %add3A_4 = arith.addi %mul3A_2, %add3A_3 : i32
    "tpu.region"() ({
      %run_scoped3A = tpu.sem_alloc : memref<!tpu.dma_semaphore, #tpu.memory_space<semaphore_mem>>
      %dma_start3A = arith.constant 0 : i32
      %dma_start3A_20 = tpu.memref_slice %arg3[%add3A_4, %dma_start3A] : memref<64x1024xi32, #tpu.memory_space<hbm>> -> memref<1x1024xi32, #tpu.memory_space<hbm>>
      %dma_start3A_21 = tpu.memref_squeeze %dma_start3A_20 : memref<1x1024xi32, #tpu.memory_space<hbm>> -> memref<1024xi32, #tpu.memory_space<hbm>>
      %dma_start3A_22 = arith.constant 0 : i32
      %dma_start3A_23 = tpu.memref_slice %arg3[%add3A_4, %dma_start3A_22] : memref<64x1024xi32, #tpu.memory_space<hbm>> -> memref<1x1024xi32, #tpu.memory_space<hbm>>
      %dma_start3A_24 = tpu.memref_squeeze %dma_start3A_23 : memref<1x1024xi32, #tpu.memory_space<hbm>> -> memref<1024xi32, #tpu.memory_space<hbm>>
      tpu.enqueue_dma source(%dma_start3A_24 : memref<1024xi32, #tpu.memory_space<hbm>>) target(%arg6 : memref<1024xi32, #tpu.memory_space<vmem>>) target_semaphore(%run_scoped3A : memref<!tpu.dma_semaphore, #tpu.memory_space<semaphore_mem>>)
      %dma_wait3A = arith.constant 0 : i32
      %dma_wait3A_25 = tpu.memref_slice %arg3[%add3A_4, %dma_wait3A] : memref<64x1024xi32, #tpu.memory_space<hbm>> -> memref<1x1024xi32, #tpu.memory_space<hbm>>
      %dma_wait3A_26 = tpu.memref_squeeze %dma_wait3A_25 : memref<1x1024xi32, #tpu.memory_space<hbm>> -> memref<1024xi32, #tpu.memory_space<hbm>>
      %dma_wait3A_27 = arith.constant 0 : i32
      %dma_wait3A_28 = tpu.memref_slice %arg3[%add3A_4, %dma_wait3A_27] : memref<64x1024xi32, #tpu.memory_space<hbm>> -> memref<1x1024xi32, #tpu.memory_space<hbm>>
      %dma_wait3A_29 = tpu.memref_squeeze %dma_wait3A_28 : memref<1x1024xi32, #tpu.memory_space<hbm>> -> memref<1024xi32, #tpu.memory_space<hbm>>
      tpu.wait_dma2 semaphore(%run_scoped3A : memref<!tpu.dma_semaphore, #tpu.memory_space<semaphore_mem>>) src(%dma_wait3A_29 : memref<1024xi32, #tpu.memory_space<hbm>>) dst(%arg6 : memref<1024xi32, #tpu.memory_space<vmem>>)
      tpu.yield
    }) : () -> ()
    %scan3A = arith.constant 0 : i32
    %scan3A_5 = arith.constant 0 : i32
    %scan3A_6 = arith.constant 64 : i32
    %scan3A_7 = arith.addi %scan3A_5, %scan3A_6 : i32
    %scan3A_8 = arith.constant 1 : i32
    scf.for %scan3A_20 = %scan3A_5 to %scan3A_7 step %scan3A_8  : i32 {
      %mul3A_21 = arith.constant 16 : i32
      %mul3A_22 = arith.muli %scan3A_20, %mul3A_21 : i32
      %get3A = arith.index_cast %mul3A_22 : i32 to index
      %get3A_23 = tpu.vector_load %arg6[%get3A] {strides = array<i32>} : memref<1024xi32, #tpu.memory_space<vmem>>, vector<16xi32>,
      %mul3A_24 = arith.constant 32 : i32
      %mul3A_25 = vector.broadcast %mul3A_24 : i32 to vector<16xi32>
      %mul3A_26 = arith.muli %get3A_23, %mul3A_25 : vector<16xi32>
      %add3A_27 = arith.constant 0 : i32
      %add3A_28 = vector.broadcast %add3A_27 : i32 to vector<16xi32>
      %add3A_29 = arith.addi %mul3A_26, %add3A_28 : vector<16xi32>
      %gather3A = tpu.vector_load_idx %arg5[%add3A_29] : memref<32768xf32, #tpu.memory_space<vmem>>[vector<16xi32>], vector<16xf32>,
      %mul3A_30 = arith.constant 16 : i32
      %mul3A_31 = arith.muli %scan3A_20, %mul3A_30 : i32
      %swap3A = arith.constant 0 : i32
      %swap3A_32 = arith.index_cast %swap3A : i32 to index
      %swap3A_33 = arith.index_cast %mul3A_31 : i32 to index
      %swap3A_34 = tpu.vector_load %arg7[%swap3A_32, %swap3A_33] {strides = array<i32>} : memref<32x1024xf32, #tpu.memory_space<vmem>>, vector<16xf32>,
      tpu.vector_store %arg7[%swap3A_32, %swap3A_33], %gather3A {strides = array<i32>} : memref<32x1024xf32, #tpu.memory_space<vmem>>, vector<16xf32>,
      %add3A_35 = arith.constant 1 : i32
      %add3A_36 = vector.broadcast %add3A_35 : i32 to vector<16xi32>
      %add3A_37 = arith.addi %mul3A_26, %add3A_36 : vector<16xi32>
      %gather3A_38 = tpu.vector_load_idx %arg5[%add3A_37] : memref<32768xf32, #tpu.memory_space<vmem>>[vector<16xi32>], vector<16xf32>,
      %mul3A_39 = arith.constant 16 : i32
      %mul3A_40 = arith.muli %scan3A_20, %mul3A_39 : i32
      %swap3A_41 = arith.constant 1 : i32
      %swap3A_42 = arith.index_cast %swap3A_41 : i32 to index
      %swap3A_43 = arith.index_cast %mul3A_40 : i32 to index
      %swap3A_44 = tpu.vector_load %arg7[%swap3A_42, %swap3A_43] {strides = array<i32>} : memref<32x1024xf32, #tpu.memory_space<vmem>>, vector<16xf32>,
      tpu.vector_store %arg7[%swap3A_42, %swap3A_43], %gather3A_38 {strides = array<i32>} : memref<32x1024xf32, #tpu.memory_space<vmem>>, vector<16xf32>,
      %add3A_45 = arith.constant 2 : i32
      %add3A_46 = vector.broadcast %add3A_45 : i32 to vector<16xi32>
      %add3A_47 = arith.addi %mul3A_26, %add3A_46 : vector<16xi32>
      %gather3A_48 = tpu.vector_load_idx %arg5[%add3A_47] : memref<32768xf32, #tpu.memory_space<vmem>>[vector<16xi32>], vector<16xf32>,
      %mul3A_49 = arith.constant 16 : i32
      %mul3A_50 = arith.muli %scan3A_20, %mul3A_49 : i32
      %swap3A_51 = arith.constant 2 : i32
      %swap3A_52 = arith.index_cast %swap3A_51 : i32 to index
      %swap3A_53 = arith.index_cast %mul3A_50 : i32 to index
      %swap3A_54 = tpu.vector_load %arg7[%swap3A_52, %swap3A_53] {strides = array<i32>} : memref<32x1024xf32, #tpu.memory_space<vmem>>, vector<16xf32>,
      tpu.vector_store %arg7[%swap3A_52, %swap3A_53], %gather3A_48 {strides = array<i32>} : memref<32x1024xf32, #tpu.memory_space<vmem>>, vector<16xf32>,
      %add3A_55 = arith.constant 3 : i32
      %add3A_56 = vector.broadcast %add3A_55 : i32 to vector<16xi32>
      %add3A_57 = arith.addi %mul3A_26, %add3A_56 : vector<16xi32>
      %gather3A_58 = tpu.vector_load_idx %arg5[%add3A_57] : memref<32768xf32, #tpu.memory_space<vmem>>[vector<16xi32>], vector<16xf32>,
      %mul3A_59 = arith.constant 16 : i32
      %mul3A_60 = arith.muli %scan3A_20, %mul3A_59 : i32
      %swap3A_61 = arith.constant 3 : i32
      %swap3A_62 = arith.index_cast %swap3A_61 : i32 to index
      %swap3A_63 = arith.index_cast %mul3A_60 : i32 to index
      %swap3A_64 = tpu.vector_load %arg7[%swap3A_62, %swap3A_63] {strides = array<i32>} : memref<32x1024xf32, #tpu.memory_space<vmem>>, vector<16xf32>,
      tpu.vector_store %arg7[%swap3A_62, %swap3A_63], %gather3A_58 {strides = array<i32>} : memref<32x1024xf32, #tpu.memory_space<vmem>>, vector<16xf32>,
      %add3A_65 = arith.constant 4 : i32
      %add3A_66 = vector.broadcast %add3A_65 : i32 to vector<16xi32>
      %add3A_67 = arith.addi %mul3A_26, %add3A_66 : vector<16xi32>
      %gather3A_68 = tpu.vector_load_idx %arg5[%add3A_67] : memref<32768xf32, #tpu.memory_space<vmem>>[vector<16xi32>], vector<16xf32>,
      %mul3A_69 = arith.constant 16 : i32
      %mul3A_70 = arith.muli %scan3A_20, %mul3A_69 : i32
      %swap3A_71 = arith.constant 4 : i32
      %swap3A_72 = arith.index_cast %swap3A_71 : i32 to index
      %swap3A_73 = arith.index_cast %mul3A_70 : i32 to index
      %swap3A_74 = tpu.vector_load %arg7[%swap3A_72, %swap3A_73] {strides = array<i32>} : memref<32x1024xf32, #tpu.memory_space<vmem>>, vector<16xf32>,
      tpu.vector_store %arg7[%swap3A_72, %swap3A_73], %gather3A_68 {strides = array<i32>} : memref<32x1024xf32, #tpu.memory_space<vmem>>, vector<16xf32>,
      %add3A_75 = arith.constant 5 : i32
      %add3A_76 = vector.broadcast %add3A_75 : i32 to vector<16xi32>
      %add3A_77 = arith.addi %mul3A_26, %add3A_76 : vector<16xi32>
      %gather3A_78 = tpu.vector_load_idx %arg5[%add3A_77] : memref<32768xf32, #tpu.memory_space<vmem>>[vector<16xi32>], vector<16xf32>,
      %mul3A_79 = arith.constant 16 : i32
      %mul3A_80 = arith.muli %scan3A_20, %mul3A_79 : i32
      %swap3A_81 = arith.constant 5 : i32
      %swap3A_82 = arith.index_cast %swap3A_81 : i32 to index
      %swap3A_83 = arith.index_cast %mul3A_80 : i32 to index
      %swap3A_84 = tpu.vector_load %arg7[%swap3A_82, %swap3A_83] {strides = array<i32>} : memref<32x1024xf32, #tpu.memory_space<vmem>>, vector<16xf32>,
      tpu.vector_store %arg7[%swap3A_82, %swap3A_83], %gather3A_78 {strides = array<i32>} : memref<32x1024xf32, #tpu.memory_space<vmem>>, vector<16xf32>,
      %add3A_85 = arith.constant 6 : i32
      %add3A_86 = vector.broadcast %add3A_85 : i32 to vector<16xi32>
      %add3A_87 = arith.addi %mul3A_26, %add3A_86 : vector<16xi32>
      %gather3A_88 = tpu.vector_load_idx %arg5[%add3A_87] : memref<32768xf32, #tpu.memory_space<vmem>>[vector<16xi32>], vector<16xf32>,
      %mul3A_89 = arith.constant 16 : i32
      %mul3A_90 = arith.muli %scan3A_20, %mul3A_89 : i32
      %swap3A_91 = arith.constant 6 : i32
      %swap3A_92 = arith.index_cast %swap3A_91 : i32 to index
      %swap3A_93 = arith.index_cast %mul3A_90 : i32 to index
      %swap3A_94 = tpu.vector_load %arg7[%swap3A_92, %swap3A_93] {strides = array<i32>} : memref<32x1024xf32, #tpu.memory_space<vmem>>, vector<16xf32>,
      tpu.vector_store %arg7[%swap3A_92, %swap3A_93], %gather3A_88 {strides = array<i32>} : memref<32x1024xf32, #tpu.memory_space<vmem>>, vector<16xf32>,
      %add3A_95 = arith.constant 7 : i32
      %add3A_96 = vector.broadcast %add3A_95 : i32 to vector<16xi32>
      %add3A_97 = arith.addi %mul3A_26, %add3A_96 : vector<16xi32>
      %gather3A_98 = tpu.vector_load_idx %arg5[%add3A_97] : memref<32768xf32, #tpu.memory_space<vmem>>[vector<16xi32>], vector<16xf32>,
      %mul3A_99 = arith.constant 16 : i32
      %mul3A_100 = arith.muli %scan3A_20, %mul3A_99 : i32
      %swap3A_101 = arith.constant 7 : i32
      %swap3A_102 = arith.index_cast %swap3A_101 : i32 to index
      %swap3A_103 = arith.index_cast %mul3A_100 : i32 to index
      %swap3A_104 = tpu.vector_load %arg7[%swap3A_102, %swap3A_103] {strides = array<i32>} : memref<32x1024xf32, #tpu.memory_space<vmem>>, vector<16xf32>,
      tpu.vector_store %arg7[%swap3A_102, %swap3A_103], %gather3A_98 {strides = array<i32>} : memref<32x1024xf32, #tpu.memory_space<vmem>>, vector<16xf32>,
      %add3A_105 = arith.constant 8 : i32
      %add3A_106 = vector.broadcast %add3A_105 : i32 to vector<16xi32>
      %add3A_107 = arith.addi %mul3A_26, %add3A_106 : vector<16xi32>
      %gather3A_108 = tpu.vector_load_idx %arg5[%add3A_107] : memref<32768xf32, #tpu.memory_space<vmem>>[vector<16xi32>], vector<16xf32>,
      %mul3A_109 = arith.constant 16 : i32
      %mul3A_110 = arith.muli %scan3A_20, %mul3A_109 : i32
      %swap3A_111 = arith.constant 8 : i32
      %swap3A_112 = arith.index_cast %swap3A_111 : i32 to index
      %swap3A_113 = arith.index_cast %mul3A_110 : i32 to index
      %swap3A_114 = tpu.vector_load %arg7[%swap3A_112, %swap3A_113] {strides = array<i32>} : memref<32x1024xf32, #tpu.memory_space<vmem>>, vector<16xf32>,
      tpu.vector_store %arg7[%swap3A_112, %swap3A_113], %gather3A_108 {strides = array<i32>} : memref<32x1024xf32, #tpu.memory_space<vmem>>, vector<16xf32>,
      %add3A_115 = arith.constant 9 : i32
      %add3A_116 = vector.broadcast %add3A_115 : i32 to vector<16xi32>
      %add3A_117 = arith.addi %mul3A_26, %add3A_116 : vector<16xi32>
      %gather3A_118 = tpu.vector_load_idx %arg5[%add3A_117] : memref<32768xf32, #tpu.memory_space<vmem>>[vector<16xi32>], vector<16xf32>,
      %mul3A_119 = arith.constant 16 : i32
      %mul3A_120 = arith.muli %scan3A_20, %mul3A_119 : i32
      %swap3A_121 = arith.constant 9 : i32
      %swap3A_122 = arith.index_cast %swap3A_121 : i32 to index
      %swap3A_123 = arith.index_cast %mul3A_120 : i32 to index
      %swap3A_124 = tpu.vector_load %arg7[%swap3A_122, %swap3A_123] {strides = array<i32>} : memref<32x1024xf32, #tpu.memory_space<vmem>>, vector<16xf32>,
      tpu.vector_store %arg7[%swap3A_122, %swap3A_123], %gather3A_118 {strides = array<i32>} : memref<32x1024xf32, #tpu.memory_space<vmem>>, vector<16xf32>,
      %add3A_125 = arith.constant 10 : i32
      %add3A_126 = vector.broadcast %add3A_125 : i32 to vector<16xi32>
      %add3A_127 = arith.addi %mul3A_26, %add3A_126 : vector<16xi32>
      %gather3A_128 = tpu.vector_load_idx %arg5[%add3A_127] : memref<32768xf32, #tpu.memory_space<vmem>>[vector<16xi32>], vector<16xf32>,
      %mul3A_129 = arith.constant 16 : i32
      %mul3A_130 = arith.muli %scan3A_20, %mul3A_129 : i32
      %swap3A_131 = arith.constant 10 : i32
      %swap3A_132 = arith.index_cast %swap3A_131 : i32 to index
      %swap3A_133 = arith.index_cast %mul3A_130 : i32 to index
      %swap3A_134 = tpu.vector_load %arg7[%swap3A_132, %swap3A_133] {strides = array<i32>} : memref<32x1024xf32, #tpu.memory_space<vmem>>, vector<16xf32>,
      tpu.vector_store %arg7[%swap3A_132, %swap3A_133], %gather3A_128 {strides = array<i32>} : memref<32x1024xf32, #tpu.memory_space<vmem>>, vector<16xf32>,
      %add3A_135 = arith.constant 11 : i32
      %add3A_136 = vector.broadcast %add3A_135 : i32 to vector<16xi32>
      %add3A_137 = arith.addi %mul3A_26, %add3A_136 : vector<16xi32>
      %gather3A_138 = tpu.vector_load_idx %arg5[%add3A_137] : memref<32768xf32, #tpu.memory_space<vmem>>[vector<16xi32>], vector<16xf32>,
      %mul3A_139 = arith.constant 16 : i32
      %mul3A_140 = arith.muli %scan3A_20, %mul3A_139 : i32
      %swap3A_141 = arith.constant 11 : i32
      %swap3A_142 = arith.index_cast %swap3A_141 : i32 to index
      %swap3A_143 = arith.index_cast %mul3A_140 : i32 to index
      %swap3A_144 = tpu.vector_load %arg7[%swap3A_142, %swap3A_143] {strides = array<i32>} : memref<32x1024xf32, #tpu.memory_space<vmem>>, vector<16xf32>,
      tpu.vector_store %arg7[%swap3A_142, %swap3A_143], %gather3A_138 {strides = array<i32>} : memref<32x1024xf32, #tpu.memory_space<vmem>>, vector<16xf32>,
      %add3A_145 = arith.constant 12 : i32
      %add3A_146 = vector.broadcast %add3A_145 : i32 to vector<16xi32>
      %add3A_147 = arith.addi %mul3A_26, %add3A_146 : vector<16xi32>
      %gather3A_148 = tpu.vector_load_idx %arg5[%add3A_147] : memref<32768xf32, #tpu.memory_space<vmem>>[vector<16xi32>], vector<16xf32>,
      %mul3A_149 = arith.constant 16 : i32
      %mul3A_150 = arith.muli %scan3A_20, %mul3A_149 : i32
      %swap3A_151 = arith.constant 12 : i32
      %swap3A_152 = arith.index_cast %swap3A_151 : i32 to index
      %swap3A_153 = arith.index_cast %mul3A_150 : i32 to index
      %swap3A_154 = tpu.vector_load %arg7[%swap3A_152, %swap3A_153] {strides = array<i32>} : memref<32x1024xf32, #tpu.memory_space<vmem>>, vector<16xf32>,
      tpu.vector_store %arg7[%swap3A_152, %swap3A_153], %gather3A_148 {strides = array<i32>} : memref<32x1024xf32, #tpu.memory_space<vmem>>, vector<16xf32>,
      %add3A_155 = arith.constant 13 : i32
      %add3A_156 = vector.broadcast %add3A_155 : i32 to vector<16xi32>
      %add3A_157 = arith.addi %mul3A_26, %add3A_156 : vector<16xi32>
      %gather3A_158 = tpu.vector_load_idx %arg5[%add3A_157] : memref<32768xf32, #tpu.memory_space<vmem>>[vector<16xi32>], vector<16xf32>,
      %mul3A_159 = arith.constant 16 : i32
      %mul3A_160 = arith.muli %scan3A_20, %mul3A_159 : i32
      %swap3A_161 = arith.constant 13 : i32
      %swap3A_162 = arith.index_cast %swap3A_161 : i32 to index
      %swap3A_163 = arith.index_cast %mul3A_160 : i32 to index
      %swap3A_164 = tpu.vector_load %arg7[%swap3A_162, %swap3A_163] {strides = array<i32>} : memref<32x1024xf32, #tpu.memory_space<vmem>>, vector<16xf32>,
      tpu.vector_store %arg7[%swap3A_162, %swap3A_163], %gather3A_158 {strides = array<i32>} : memref<32x1024xf32, #tpu.memory_space<vmem>>, vector<16xf32>,
      %add3A_165 = arith.constant 14 : i32
      %add3A_166 = vector.broadcast %add3A_165 : i32 to vector<16xi32>
      %add3A_167 = arith.addi %mul3A_26, %add3A_166 : vector<16xi32>
      %gather3A_168 = tpu.vector_load_idx %arg5[%add3A_167] : memref<32768xf32, #tpu.memory_space<vmem>>[vector<16xi32>], vector<16xf32>,
      %mul3A_169 = arith.constant 16 : i32
      %mul3A_170 = arith.muli %scan3A_20, %mul3A_169 : i32
      %swap3A_171 = arith.constant 14 : i32
      %swap3A_172 = arith.index_cast %swap3A_171 : i32 to index
      %swap3A_173 = arith.index_cast %mul3A_170 : i32 to index
      %swap3A_174 = tpu.vector_load %arg7[%swap3A_172, %swap3A_173] {strides = array<i32>} : memref<32x1024xf32, #tpu.memory_space<vmem>>, vector<16xf32>,
      tpu.vector_store %arg7[%swap3A_172, %swap3A_173], %gather3A_168 {strides = array<i32>} : memref<32x1024xf32, #tpu.memory_space<vmem>>, vector<16xf32>,
      %add3A_175 = arith.constant 15 : i32
      %add3A_176 = vector.broadcast %add3A_175 : i32 to vector<16xi32>
      %add3A_177 = arith.addi %mul3A_26, %add3A_176 : vector<16xi32>
      %gather3A_178 = tpu.vector_load_idx %arg5[%add3A_177] : memref<32768xf32, #tpu.memory_space<vmem>>[vector<16xi32>], vector<16xf32>,
      %mul3A_179 = arith.constant 16 : i32
      %mul3A_180 = arith.muli %scan3A_20, %mul3A_179 : i32
      %swap3A_181 = arith.constant 15 : i32
      %swap3A_182 = arith.index_cast %swap3A_181 : i32 to index
      %swap3A_183 = arith.index_cast %mul3A_180 : i32 to index
      %swap3A_184 = tpu.vector_load %arg7[%swap3A_182, %swap3A_183] {strides = array<i32>} : memref<32x1024xf32, #tpu.memory_space<vmem>>, vector<16xf32>,
      tpu.vector_store %arg7[%swap3A_182, %swap3A_183], %gather3A_178 {strides = array<i32>} : memref<32x1024xf32, #tpu.memory_space<vmem>>, vector<16xf32>,
      %add3A_185 = arith.constant 16 : i32
      %add3A_186 = vector.broadcast %add3A_185 : i32 to vector<16xi32>
      %add3A_187 = arith.addi %mul3A_26, %add3A_186 : vector<16xi32>
      %gather3A_188 = tpu.vector_load_idx %arg5[%add3A_187] : memref<32768xf32, #tpu.memory_space<vmem>>[vector<16xi32>], vector<16xf32>,
      %mul3A_189 = arith.constant 16 : i32
      %mul3A_190 = arith.muli %scan3A_20, %mul3A_189 : i32
      %swap3A_191 = arith.constant 16 : i32
      %swap3A_192 = arith.index_cast %swap3A_191 : i32 to index
      %swap3A_193 = arith.index_cast %mul3A_190 : i32 to index
      %swap3A_194 = tpu.vector_load %arg7[%swap3A_192, %swap3A_193] {strides = array<i32>} : memref<32x1024xf32, #tpu.memory_space<vmem>>, vector<16xf32>,
      tpu.vector_store %arg7[%swap3A_192, %swap3A_193], %gather3A_188 {strides = array<i32>} : memref<32x1024xf32, #tpu.memory_space<vmem>>, vector<16xf32>,
      %add3A_195 = arith.constant 17 : i32
      %add3A_196 = vector.broadcast %add3A_195 : i32 to vector<16xi32>
      %add3A_197 = arith.addi %mul3A_26, %add3A_196 : vector<16xi32>
      %gather3A_198 = tpu.vector_load_idx %arg5[%add3A_197] : memref<32768xf32, #tpu.memory_space<vmem>>[vector<16xi32>], vector<16xf32>,
      %mul3A_199 = arith.constant 16 : i32
      %mul3A_200 = arith.muli %scan3A_20, %mul3A_199 : i32
      %swap3A_201 = arith.constant 17 : i32
      %swap3A_202 = arith.index_cast %swap3A_201 : i32 to index
      %swap3A_203 = arith.index_cast %mul3A_200 : i32 to index
      %swap3A_204 = tpu.vector_load %arg7[%swap3A_202, %swap3A_203] {strides = array<i32>} : memref<32x1024xf32, #tpu.memory_space<vmem>>, vector<16xf32>,
      tpu.vector_store %arg7[%swap3A_202, %swap3A_203], %gather3A_198 {strides = array<i32>} : memref<32x1024xf32, #tpu.memory_space<vmem>>, vector<16xf32>,
      %add3A_205 = arith.constant 18 : i32
      %add3A_206 = vector.broadcast %add3A_205 : i32 to vector<16xi32>
      %add3A_207 = arith.addi %mul3A_26, %add3A_206 : vector<16xi32>
      %gather3A_208 = tpu.vector_load_idx %arg5[%add3A_207] : memref<32768xf32, #tpu.memory_space<vmem>>[vector<16xi32>], vector<16xf32>,
      %mul3A_209 = arith.constant 16 : i32
      %mul3A_210 = arith.muli %scan3A_20, %mul3A_209 : i32
      %swap3A_211 = arith.constant 18 : i32
      %swap3A_212 = arith.index_cast %swap3A_211 : i32 to index
      %swap3A_213 = arith.index_cast %mul3A_210 : i32 to index
      %swap3A_214 = tpu.vector_load %arg7[%swap3A_212, %swap3A_213] {strides = array<i32>} : memref<32x1024xf32, #tpu.memory_space<vmem>>, vector<16xf32>,
      tpu.vector_store %arg7[%swap3A_212, %swap3A_213], %gather3A_208 {strides = array<i32>} : memref<32x1024xf32, #tpu.memory_space<vmem>>, vector<16xf32>,
      %add3A_215 = arith.constant 19 : i32
      %add3A_216 = vector.broadcast %add3A_215 : i32 to vector<16xi32>
      %add3A_217 = arith.addi %mul3A_26, %add3A_216 : vector<16xi32>
      %gather3A_218 = tpu.vector_load_idx %arg5[%add3A_217] : memref<32768xf32, #tpu.memory_space<vmem>>[vector<16xi32>], vector<16xf32>,
      %mul3A_219 = arith.constant 16 : i32
      %mul3A_220 = arith.muli %scan3A_20, %mul3A_219 : i32
      %swap3A_221 = arith.constant 19 : i32
      %swap3A_222 = arith.index_cast %swap3A_221 : i32 to index
      %swap3A_223 = arith.index_cast %mul3A_220 : i32 to index
      %swap3A_224 = tpu.vector_load %arg7[%swap3A_222, %swap3A_223] {strides = array<i32>} : memref<32x1024xf32, #tpu.memory_space<vmem>>, vector<16xf32>,
      tpu.vector_store %arg7[%swap3A_222, %swap3A_223], %gather3A_218 {strides = array<i32>} : memref<32x1024xf32, #tpu.memory_space<vmem>>, vector<16xf32>,
      %add3A_225 = arith.constant 20 : i32
      %add3A_226 = vector.broadcast %add3A_225 : i32 to vector<16xi32>
      %add3A_227 = arith.addi %mul3A_26, %add3A_226 : vector<16xi32>
      %gather3A_228 = tpu.vector_load_idx %arg5[%add3A_227] : memref<32768xf32, #tpu.memory_space<vmem>>[vector<16xi32>], vector<16xf32>,
      %mul3A_229 = arith.constant 16 : i32
      %mul3A_230 = arith.muli %scan3A_20, %mul3A_229 : i32
      %swap3A_231 = arith.constant 20 : i32
      %swap3A_232 = arith.index_cast %swap3A_231 : i32 to index
      %swap3A_233 = arith.index_cast %mul3A_230 : i32 to index
      %swap3A_234 = tpu.vector_load %arg7[%swap3A_232, %swap3A_233] {strides = array<i32>} : memref<32x1024xf32, #tpu.memory_space<vmem>>, vector<16xf32>,
      tpu.vector_store %arg7[%swap3A_232, %swap3A_233], %gather3A_228 {strides = array<i32>} : memref<32x1024xf32, #tpu.memory_space<vmem>>, vector<16xf32>,
      %add3A_235 = arith.constant 21 : i32
      %add3A_236 = vector.broadcast %add3A_235 : i32 to vector<16xi32>
      %add3A_237 = arith.addi %mul3A_26, %add3A_236 : vector<16xi32>
      %gather3A_238 = tpu.vector_load_idx %arg5[%add3A_237] : memref<32768xf32, #tpu.memory_space<vmem>>[vector<16xi32>], vector<16xf32>,
      %mul3A_239 = arith.constant 16 : i32
      %mul3A_240 = arith.muli %scan3A_20, %mul3A_239 : i32
      %swap3A_241 = arith.constant 21 : i32
      %swap3A_242 = arith.index_cast %swap3A_241 : i32 to index
      %swap3A_243 = arith.index_cast %mul3A_240 : i32 to index
      %swap3A_244 = tpu.vector_load %arg7[%swap3A_242, %swap3A_243] {strides = array<i32>} : memref<32x1024xf32, #tpu.memory_space<vmem>>, vector<16xf32>,
      tpu.vector_store %arg7[%swap3A_242, %swap3A_243], %gather3A_238 {strides = array<i32>} : memref<32x1024xf32, #tpu.memory_space<vmem>>, vector<16xf32>,
      %add3A_245 = arith.constant 22 : i32
      %add3A_246 = vector.broadcast %add3A_245 : i32 to vector<16xi32>
      %add3A_247 = arith.addi %mul3A_26, %add3A_246 : vector<16xi32>
      %gather3A_248 = tpu.vector_load_idx %arg5[%add3A_247] : memref<32768xf32, #tpu.memory_space<vmem>>[vector<16xi32>], vector<16xf32>,
      %mul3A_249 = arith.constant 16 : i32
      %mul3A_250 = arith.muli %scan3A_20, %mul3A_249 : i32
      %swap3A_251 = arith.constant 22 : i32
      %swap3A_252 = arith.index_cast %swap3A_251 : i32 to index
      %swap3A_253 = arith.index_cast %mul3A_250 : i32 to index
      %swap3A_254 = tpu.vector_load %arg7[%swap3A_252, %swap3A_253] {strides = array<i32>} : memref<32x1024xf32, #tpu.memory_space<vmem>>, vector<16xf32>,
      tpu.vector_store %arg7[%swap3A_252, %swap3A_253], %gather3A_248 {strides = array<i32>} : memref<32x1024xf32, #tpu.memory_space<vmem>>, vector<16xf32>,
      %add3A_255 = arith.constant 23 : i32
      %add3A_256 = vector.broadcast %add3A_255 : i32 to vector<16xi32>
      %add3A_257 = arith.addi %mul3A_26, %add3A_256 : vector<16xi32>
      %gather3A_258 = tpu.vector_load_idx %arg5[%add3A_257] : memref<32768xf32, #tpu.memory_space<vmem>>[vector<16xi32>], vector<16xf32>,
      %mul3A_259 = arith.constant 16 : i32
      %mul3A_260 = arith.muli %scan3A_20, %mul3A_259 : i32
      %swap3A_261 = arith.constant 23 : i32
      %swap3A_262 = arith.index_cast %swap3A_261 : i32 to index
      %swap3A_263 = arith.index_cast %mul3A_260 : i32 to index
      %swap3A_264 = tpu.vector_load %arg7[%swap3A_262, %swap3A_263] {strides = array<i32>} : memref<32x1024xf32, #tpu.memory_space<vmem>>, vector<16xf32>,
      tpu.vector_store %arg7[%swap3A_262, %swap3A_263], %gather3A_258 {strides = array<i32>} : memref<32x1024xf32, #tpu.memory_space<vmem>>, vector<16xf32>,
      %add3A_265 = arith.constant 24 : i32
      %add3A_266 = vector.broadcast %add3A_265 : i32 to vector<16xi32>
      %add3A_267 = arith.addi %mul3A_26, %add3A_266 : vector<16xi32>
      %gather3A_268 = tpu.vector_load_idx %arg5[%add3A_267] : memref<32768xf32, #tpu.memory_space<vmem>>[vector<16xi32>], vector<16xf32>,
      %mul3A_269 = arith.constant 16 : i32
      %mul3A_270 = arith.muli %scan3A_20, %mul3A_269 : i32
      %swap3A_271 = arith.constant 24 : i32
      %swap3A_272 = arith.index_cast %swap3A_271 : i32 to index
      %swap3A_273 = arith.index_cast %mul3A_270 : i32 to index
      %swap3A_274 = tpu.vector_load %arg7[%swap3A_272, %swap3A_273] {strides = array<i32>} : memref<32x1024xf32, #tpu.memory_space<vmem>>, vector<16xf32>,
      tpu.vector_store %arg7[%swap3A_272, %swap3A_273], %gather3A_268 {strides = array<i32>} : memref<32x1024xf32, #tpu.memory_space<vmem>>, vector<16xf32>,
      %add3A_275 = arith.constant 25 : i32
      %add3A_276 = vector.broadcast %add3A_275 : i32 to vector<16xi32>
      %add3A_277 = arith.addi %mul3A_26, %add3A_276 : vector<16xi32>
      %gather3A_278 = tpu.vector_load_idx %arg5[%add3A_277] : memref<32768xf32, #tpu.memory_space<vmem>>[vector<16xi32>], vector<16xf32>,
      %mul3A_279 = arith.constant 16 : i32
      %mul3A_280 = arith.muli %scan3A_20, %mul3A_279 : i32
      %swap3A_281 = arith.constant 25 : i32
      %swap3A_282 = arith.index_cast %swap3A_281 : i32 to index
      %swap3A_283 = arith.index_cast %mul3A_280 : i32 to index
      %swap3A_284 = tpu.vector_load %arg7[%swap3A_282, %swap3A_283] {strides = array<i32>} : memref<32x1024xf32, #tpu.memory_space<vmem>>, vector<16xf32>,
      tpu.vector_store %arg7[%swap3A_282, %swap3A_283], %gather3A_278 {strides = array<i32>} : memref<32x1024xf32, #tpu.memory_space<vmem>>, vector<16xf32>,
      %add3A_285 = arith.constant 26 : i32
      %add3A_286 = vector.broadcast %add3A_285 : i32 to vector<16xi32>
      %add3A_287 = arith.addi %mul3A_26, %add3A_286 : vector<16xi32>
      %gather3A_288 = tpu.vector_load_idx %arg5[%add3A_287] : memref<32768xf32, #tpu.memory_space<vmem>>[vector<16xi32>], vector<16xf32>,
      %mul3A_289 = arith.constant 16 : i32
      %mul3A_290 = arith.muli %scan3A_20, %mul3A_289 : i32
      %swap3A_291 = arith.constant 26 : i32
      %swap3A_292 = arith.index_cast %swap3A_291 : i32 to index
      %swap3A_293 = arith.index_cast %mul3A_290 : i32 to index
      %swap3A_294 = tpu.vector_load %arg7[%swap3A_292, %swap3A_293] {strides = array<i32>} : memref<32x1024xf32, #tpu.memory_space<vmem>>, vector<16xf32>,
      tpu.vector_store %arg7[%swap3A_292, %swap3A_293], %gather3A_288 {strides = array<i32>} : memref<32x1024xf32, #tpu.memory_space<vmem>>, vector<16xf32>,
      %add3A_295 = arith.constant 27 : i32
      %add3A_296 = vector.broadcast %add3A_295 : i32 to vector<16xi32>
      %add3A_297 = arith.addi %mul3A_26, %add3A_296 : vector<16xi32>
      %gather3A_298 = tpu.vector_load_idx %arg5[%add3A_297] : memref<32768xf32, #tpu.memory_space<vmem>>[vector<16xi32>], vector<16xf32>,
      %mul3A_299 = arith.constant 16 : i32
      %mul3A_300 = arith.muli %scan3A_20, %mul3A_299 : i32
      %swap3A_301 = arith.constant 27 : i32
      %swap3A_302 = arith.index_cast %swap3A_301 : i32 to index
      %swap3A_303 = arith.index_cast %mul3A_300 : i32 to index
      %swap3A_304 = tpu.vector_load %arg7[%swap3A_302, %swap3A_303] {strides = array<i32>} : memref<32x1024xf32, #tpu.memory_space<vmem>>, vector<16xf32>,
      tpu.vector_store %arg7[%swap3A_302, %swap3A_303], %gather3A_298 {strides = array<i32>} : memref<32x1024xf32, #tpu.memory_space<vmem>>, vector<16xf32>,
      %add3A_305 = arith.constant 28 : i32
      %add3A_306 = vector.broadcast %add3A_305 : i32 to vector<16xi32>
      %add3A_307 = arith.addi %mul3A_26, %add3A_306 : vector<16xi32>
      %gather3A_308 = tpu.vector_load_idx %arg5[%add3A_307] : memref<32768xf32, #tpu.memory_space<vmem>>[vector<16xi32>], vector<16xf32>,
      %mul3A_309 = arith.constant 16 : i32
      %mul3A_310 = arith.muli %scan3A_20, %mul3A_309 : i32
      %swap3A_311 = arith.constant 28 : i32
      %swap3A_312 = arith.index_cast %swap3A_311 : i32 to index
      %swap3A_313 = arith.index_cast %mul3A_310 : i32 to index
      %swap3A_314 = tpu.vector_load %arg7[%swap3A_312, %swap3A_313] {strides = array<i32>} : memref<32x1024xf32, #tpu.memory_space<vmem>>, vector<16xf32>,
      tpu.vector_store %arg7[%swap3A_312, %swap3A_313], %gather3A_308 {strides = array<i32>} : memref<32x1024xf32, #tpu.memory_space<vmem>>, vector<16xf32>,
      %add3A_315 = arith.constant 29 : i32
      %add3A_316 = vector.broadcast %add3A_315 : i32 to vector<16xi32>
      %add3A_317 = arith.addi %mul3A_26, %add3A_316 : vector<16xi32>
      %gather3A_318 = tpu.vector_load_idx %arg5[%add3A_317] : memref<32768xf32, #tpu.memory_space<vmem>>[vector<16xi32>], vector<16xf32>,
      %mul3A_319 = arith.constant 16 : i32
      %mul3A_320 = arith.muli %scan3A_20, %mul3A_319 : i32
      %swap3A_321 = arith.constant 29 : i32
      %swap3A_322 = arith.index_cast %swap3A_321 : i32 to index
      %swap3A_323 = arith.index_cast %mul3A_320 : i32 to index
      %swap3A_324 = tpu.vector_load %arg7[%swap3A_322, %swap3A_323] {strides = array<i32>} : memref<32x1024xf32, #tpu.memory_space<vmem>>, vector<16xf32>,
      tpu.vector_store %arg7[%swap3A_322, %swap3A_323], %gather3A_318 {strides = array<i32>} : memref<32x1024xf32, #tpu.memory_space<vmem>>, vector<16xf32>,
      %add3A_325 = arith.constant 30 : i32
      %add3A_326 = vector.broadcast %add3A_325 : i32 to vector<16xi32>
      %add3A_327 = arith.addi %mul3A_26, %add3A_326 : vector<16xi32>
      %gather3A_328 = tpu.vector_load_idx %arg5[%add3A_327] : memref<32768xf32, #tpu.memory_space<vmem>>[vector<16xi32>], vector<16xf32>,
      %mul3A_329 = arith.constant 16 : i32
      %mul3A_330 = arith.muli %scan3A_20, %mul3A_329 : i32
      %swap3A_331 = arith.constant 30 : i32
      %swap3A_332 = arith.index_cast %swap3A_331 : i32 to index
      %swap3A_333 = arith.index_cast %mul3A_330 : i32 to index
      %swap3A_334 = tpu.vector_load %arg7[%swap3A_332, %swap3A_333] {strides = array<i32>} : memref<32x1024xf32, #tpu.memory_space<vmem>>, vector<16xf32>,
      tpu.vector_store %arg7[%swap3A_332, %swap3A_333], %gather3A_328 {strides = array<i32>} : memref<32x1024xf32, #tpu.memory_space<vmem>>, vector<16xf32>,
      %add3A_335 = arith.constant 31 : i32
      %add3A_336 = vector.broadcast %add3A_335 : i32 to vector<16xi32>
      %add3A_337 = arith.addi %mul3A_26, %add3A_336 : vector<16xi32>
      %gather3A_338 = tpu.vector_load_idx %arg5[%add3A_337] : memref<32768xf32, #tpu.memory_space<vmem>>[vector<16xi32>], vector<16xf32>,
      %mul3A_339 = arith.constant 16 : i32
      %mul3A_340 = arith.muli %scan3A_20, %mul3A_339 : i32
      %swap3A_341 = arith.constant 31 : i32
      %swap3A_342 = arith.index_cast %swap3A_341 : i32 to index
      %swap3A_343 = arith.index_cast %mul3A_340 : i32 to index
      %swap3A_344 = tpu.vector_load %arg7[%swap3A_342, %swap3A_343] {strides = array<i32>} : memref<32x1024xf32, #tpu.memory_space<vmem>>, vector<16xf32>,
      tpu.vector_store %arg7[%swap3A_342, %swap3A_343], %gather3A_338 {strides = array<i32>} : memref<32x1024xf32, #tpu.memory_space<vmem>>, vector<16xf32>,
    }
    %scan3A_9 = arith.constant 64 : i32
    "tpu.region"() ({
      %run_scoped3A = tpu.sem_alloc : memref<!tpu.dma_semaphore, #tpu.memory_space<semaphore_mem>>
      %dma_start3A = arith.constant 0 : i32
      %dma_start3A_20 = arith.constant 0 : i32
      %dma_start3A_21 = tpu.memref_slice %arg4[%add3A_4, %dma_start3A, %dma_start3A_20] : memref<64x32x1024xf32, #tpu.memory_space<hbm>> -> memref<1x32x1024xf32, #tpu.memory_space<hbm>>
      %dma_start3A_22 = tpu.memref_squeeze %dma_start3A_21 : memref<1x32x1024xf32, #tpu.memory_space<hbm>> -> memref<32x1024xf32, #tpu.memory_space<hbm>>
      %dma_start3A_23 = arith.constant 0 : i32
      %dma_start3A_24 = arith.constant 0 : i32
      %dma_start3A_25 = tpu.memref_slice %arg4[%add3A_4, %dma_start3A_23, %dma_start3A_24] : memref<64x32x1024xf32, #tpu.memory_space<hbm>> -> memref<1x32x1024xf32, #tpu.memory_space<hbm>>
      %dma_start3A_26 = tpu.memref_squeeze %dma_start3A_25 : memref<1x32x1024xf32, #tpu.memory_space<hbm>> -> memref<32x1024xf32, #tpu.memory_space<hbm>>
      tpu.enqueue_dma source(%arg7 : memref<32x1024xf32, #tpu.memory_space<vmem>>) target(%dma_start3A_26 : memref<32x1024xf32, #tpu.memory_space<hbm>>) target_semaphore(%run_scoped3A : memref<!tpu.dma_semaphore, #tpu.memory_space<semaphore_mem>>)
      %dma_wait3A = arith.constant 0 : i32
      %dma_wait3A_27 = arith.constant 0 : i32
      %dma_wait3A_28 = tpu.memref_slice %arg4[%add3A_4, %dma_wait3A, %dma_wait3A_27] : memref<64x32x1024xf32, #tpu.memory_space<hbm>> -> memref<1x32x1024xf32, #tpu.memory_space<hbm>>
      %dma_wait3A_29 = tpu.memref_squeeze %dma_wait3A_28 : memref<1x32x1024xf32, #tpu.memory_space<hbm>> -> memref<32x1024xf32, #tpu.memory_space<hbm>>
      %dma_wait3A_30 = arith.constant 0 : i32
      %dma_wait3A_31 = arith.constant 0 : i32
      %dma_wait3A_32 = tpu.memref_slice %arg4[%add3A_4, %dma_wait3A_30, %dma_wait3A_31] : memref<64x32x1024xf32, #tpu.memory_space<hbm>> -> memref<1x32x1024xf32, #tpu.memory_space<hbm>>
      %dma_wait3A_33 = tpu.memref_squeeze %dma_wait3A_32 : memref<1x32x1024xf32, #tpu.memory_space<hbm>> -> memref<32x1024xf32, #tpu.memory_space<hbm>>
      tpu.wait_dma2 semaphore(%run_scoped3A : memref<!tpu.dma_semaphore, #tpu.memory_space<semaphore_mem>>) src(%arg7 : memref<32x1024xf32, #tpu.memory_space<vmem>>) dst(%dma_wait3A_33 : memref<32x1024xf32, #tpu.memory_space<hbm>>)
      tpu.yield
    }) : () -> ()
    %mul3A_10 = arith.constant 2 : i32
    %mul3A_11 = arith.muli %add3A, %mul3A_10 : i32
    %add3A_12 = arith.constant 1 : i32
    %add3A_13 = arith.addi %mul3A_11, %add3A_12 : i32
    "tpu.region"() ({
      %run_scoped3A = tpu.sem_alloc : memref<!tpu.dma_semaphore, #tpu.memory_space<semaphore_mem>>
      %dma_start3A = arith.constant 0 : i32
      %dma_start3A_20 = tpu.memref_slice %arg3[%add3A_13, %dma_start3A] : memref<64x1024xi32, #tpu.memory_space<hbm>> -> memref<1x1024xi32, #tpu.memory_space<hbm>>
      %dma_start3A_21 = tpu.memref_squeeze %dma_start3A_20 : memref<1x1024xi32, #tpu.memory_space<hbm>> -> memref<1024xi32, #tpu.memory_space<hbm>>
      %dma_start3A_22 = arith.constant 0 : i32
      %dma_start3A_23 = tpu.memref_slice %arg3[%add3A_13, %dma_start3A_22] : memref<64x1024xi32, #tpu.memory_space<hbm>> -> memref<1x1024xi32, #tpu.memory_space<hbm>>
      %dma_start3A_24 = tpu.memref_squeeze %dma_start3A_23 : memref<1x1024xi32, #tpu.memory_space<hbm>> -> memref<1024xi32, #tpu.memory_space<hbm>>
      tpu.enqueue_dma source(%dma_start3A_24 : memref<1024xi32, #tpu.memory_space<hbm>>) target(%arg6 : memref<1024xi32, #tpu.memory_space<vmem>>) target_semaphore(%run_scoped3A : memref<!tpu.dma_semaphore, #tpu.memory_space<semaphore_mem>>)
      %dma_wait3A = arith.constant 0 : i32
      %dma_wait3A_25 = tpu.memref_slice %arg3[%add3A_13, %dma_wait3A] : memref<64x1024xi32, #tpu.memory_space<hbm>> -> memref<1x1024xi32, #tpu.memory_space<hbm>>
      %dma_wait3A_26 = tpu.memref_squeeze %dma_wait3A_25 : memref<1x1024xi32, #tpu.memory_space<hbm>> -> memref<1024xi32, #tpu.memory_space<hbm>>
      %dma_wait3A_27 = arith.constant 0 : i32
      %dma_wait3A_28 = tpu.memref_slice %arg3[%add3A_13, %dma_wait3A_27] : memref<64x1024xi32, #tpu.memory_space<hbm>> -> memref<1x1024xi32, #tpu.memory_space<hbm>>
      %dma_wait3A_29 = tpu.memref_squeeze %dma_wait3A_28 : memref<1x1024xi32, #tpu.memory_space<hbm>> -> memref<1024xi32, #tpu.memory_space<hbm>>
      tpu.wait_dma2 semaphore(%run_scoped3A : memref<!tpu.dma_semaphore, #tpu.memory_space<semaphore_mem>>) src(%dma_wait3A_29 : memref<1024xi32, #tpu.memory_space<hbm>>) dst(%arg6 : memref<1024xi32, #tpu.memory_space<vmem>>)
      tpu.yield
    }) : () -> ()
    %scan3A_14 = arith.constant 0 : i32
    %scan3A_15 = arith.constant 0 : i32
    %scan3A_16 = arith.constant 64 : i32
    %scan3A_17 = arith.addi %scan3A_15, %scan3A_16 : i32
    %scan3A_18 = arith.constant 1 : i32
    scf.for %scan3A_20 = %scan3A_15 to %scan3A_17 step %scan3A_18  : i32 {
      %mul3A_21 = arith.constant 16 : i32
      %mul3A_22 = arith.muli %scan3A_20, %mul3A_21 : i32
      %get3A = arith.index_cast %mul3A_22 : i32 to index
      %get3A_23 = tpu.vector_load %arg6[%get3A] {strides = array<i32>} : memref<1024xi32, #tpu.memory_space<vmem>>, vector<16xi32>,
      %mul3A_24 = arith.constant 32 : i32
      %mul3A_25 = vector.broadcast %mul3A_24 : i32 to vector<16xi32>
      %mul3A_26 = arith.muli %get3A_23, %mul3A_25 : vector<16xi32>
      %add3A_27 = arith.constant 0 : i32
      %add3A_28 = vector.broadcast %add3A_27 : i32 to vector<16xi32>
      %add3A_29 = arith.addi %mul3A_26, %add3A_28 : vector<16xi32>
      %gather3A = tpu.vector_load_idx %arg5[%add3A_29] : memref<32768xf32, #tpu.memory_space<vmem>>[vector<16xi32>], vector<16xf32>,
      %mul3A_30 = arith.constant 16 : i32
      %mul3A_31 = arith.muli %scan3A_20, %mul3A_30 : i32
      %swap3A = arith.constant 0 : i32
      %swap3A_32 = arith.index_cast %swap3A : i32 to index
      %swap3A_33 = arith.index_cast %mul3A_31 : i32 to index
      %swap3A_34 = tpu.vector_load %arg7[%swap3A_32, %swap3A_33] {strides = array<i32>} : memref<32x1024xf32, #tpu.memory_space<vmem>>, vector<16xf32>,
      tpu.vector_store %arg7[%swap3A_32, %swap3A_33], %gather3A {strides = array<i32>} : memref<32x1024xf32, #tpu.memory_space<vmem>>, vector<16xf32>,
      %add3A_35 = arith.constant 1 : i32
      %add3A_36 = vector.broadcast %add3A_35 : i32 to vector<16xi32>
      %add3A_37 = arith.addi %mul3A_26, %add3A_36 : vector<16xi32>
      %gather3A_38 = tpu.vector_load_idx %arg5[%add3A_37] : memref<32768xf32, #tpu.memory_space<vmem>>[vector<16xi32>], vector<16xf32>,
      %mul3A_39 = arith.constant 16 : i32
      %mul3A_40 = arith.muli %scan3A_20, %mul3A_39 : i32
      %swap3A_41 = arith.constant 1 : i32
      %swap3A_42 = arith.index_cast %swap3A_41 : i32 to index
      %swap3A_43 = arith.index_cast %mul3A_40 : i32 to index
      %swap3A_44 = tpu.vector_load %arg7[%swap3A_42, %swap3A_43] {strides = array<i32>} : memref<32x1024xf32, #tpu.memory_space<vmem>>, vector<16xf32>,
      tpu.vector_store %arg7[%swap3A_42, %swap3A_43], %gather3A_38 {strides = array<i32>} : memref<32x1024xf32, #tpu.memory_space<vmem>>, vector<16xf32>,
      %add3A_45 = arith.constant 2 : i32
      %add3A_46 = vector.broadcast %add3A_45 : i32 to vector<16xi32>
      %add3A_47 = arith.addi %mul3A_26, %add3A_46 : vector<16xi32>
      %gather3A_48 = tpu.vector_load_idx %arg5[%add3A_47] : memref<32768xf32, #tpu.memory_space<vmem>>[vector<16xi32>], vector<16xf32>,
      %mul3A_49 = arith.constant 16 : i32
      %mul3A_50 = arith.muli %scan3A_20, %mul3A_49 : i32
      %swap3A_51 = arith.constant 2 : i32
      %swap3A_52 = arith.index_cast %swap3A_51 : i32 to index
      %swap3A_53 = arith.index_cast %mul3A_50 : i32 to index
      %swap3A_54 = tpu.vector_load %arg7[%swap3A_52, %swap3A_53] {strides = array<i32>} : memref<32x1024xf32, #tpu.memory_space<vmem>>, vector<16xf32>,
      tpu.vector_store %arg7[%swap3A_52, %swap3A_53], %gather3A_48 {strides = array<i32>} : memref<32x1024xf32, #tpu.memory_space<vmem>>, vector<16xf32>,
      %add3A_55 = arith.constant 3 : i32
      %add3A_56 = vector.broadcast %add3A_55 : i32 to vector<16xi32>
      %add3A_57 = arith.addi %mul3A_26, %add3A_56 : vector<16xi32>
      %gather3A_58 = tpu.vector_load_idx %arg5[%add3A_57] : memref<32768xf32, #tpu.memory_space<vmem>>[vector<16xi32>], vector<16xf32>,
      %mul3A_59 = arith.constant 16 : i32
      %mul3A_60 = arith.muli %scan3A_20, %mul3A_59 : i32
      %swap3A_61 = arith.constant 3 : i32
      %swap3A_62 = arith.index_cast %swap3A_61 : i32 to index
      %swap3A_63 = arith.index_cast %mul3A_60 : i32 to index
      %swap3A_64 = tpu.vector_load %arg7[%swap3A_62, %swap3A_63] {strides = array<i32>} : memref<32x1024xf32, #tpu.memory_space<vmem>>, vector<16xf32>,
      tpu.vector_store %arg7[%swap3A_62, %swap3A_63], %gather3A_58 {strides = array<i32>} : memref<32x1024xf32, #tpu.memory_space<vmem>>, vector<16xf32>,
      %add3A_65 = arith.constant 4 : i32
      %add3A_66 = vector.broadcast %add3A_65 : i32 to vector<16xi32>
      %add3A_67 = arith.addi %mul3A_26, %add3A_66 : vector<16xi32>
      %gather3A_68 = tpu.vector_load_idx %arg5[%add3A_67] : memref<32768xf32, #tpu.memory_space<vmem>>[vector<16xi32>], vector<16xf32>,
      %mul3A_69 = arith.constant 16 : i32
      %mul3A_70 = arith.muli %scan3A_20, %mul3A_69 : i32
      %swap3A_71 = arith.constant 4 : i32
      %swap3A_72 = arith.index_cast %swap3A_71 : i32 to index
      %swap3A_73 = arith.index_cast %mul3A_70 : i32 to index
      %swap3A_74 = tpu.vector_load %arg7[%swap3A_72, %swap3A_73] {strides = array<i32>} : memref<32x1024xf32, #tpu.memory_space<vmem>>, vector<16xf32>,
      tpu.vector_store %arg7[%swap3A_72, %swap3A_73], %gather3A_68 {strides = array<i32>} : memref<32x1024xf32, #tpu.memory_space<vmem>>, vector<16xf32>,
      %add3A_75 = arith.constant 5 : i32
      %add3A_76 = vector.broadcast %add3A_75 : i32 to vector<16xi32>
      %add3A_77 = arith.addi %mul3A_26, %add3A_76 : vector<16xi32>
      %gather3A_78 = tpu.vector_load_idx %arg5[%add3A_77] : memref<32768xf32, #tpu.memory_space<vmem>>[vector<16xi32>], vector<16xf32>,
      %mul3A_79 = arith.constant 16 : i32
      %mul3A_80 = arith.muli %scan3A_20, %mul3A_79 : i32
      %swap3A_81 = arith.constant 5 : i32
      %swap3A_82 = arith.index_cast %swap3A_81 : i32 to index
      %swap3A_83 = arith.index_cast %mul3A_80 : i32 to index
      %swap3A_84 = tpu.vector_load %arg7[%swap3A_82, %swap3A_83] {strides = array<i32>} : memref<32x1024xf32, #tpu.memory_space<vmem>>, vector<16xf32>,
      tpu.vector_store %arg7[%swap3A_82, %swap3A_83], %gather3A_78 {strides = array<i32>} : memref<32x1024xf32, #tpu.memory_space<vmem>>, vector<16xf32>,
      %add3A_85 = arith.constant 6 : i32
      %add3A_86 = vector.broadcast %add3A_85 : i32 to vector<16xi32>
      %add3A_87 = arith.addi %mul3A_26, %add3A_86 : vector<16xi32>
      %gather3A_88 = tpu.vector_load_idx %arg5[%add3A_87] : memref<32768xf32, #tpu.memory_space<vmem>>[vector<16xi32>], vector<16xf32>,
      %mul3A_89 = arith.constant 16 : i32
      %mul3A_90 = arith.muli %scan3A_20, %mul3A_89 : i32
      %swap3A_91 = arith.constant 6 : i32
      %swap3A_92 = arith.index_cast %swap3A_91 : i32 to index
      %swap3A_93 = arith.index_cast %mul3A_90 : i32 to index
      %swap3A_94 = tpu.vector_load %arg7[%swap3A_92, %swap3A_93] {strides = array<i32>} : memref<32x1024xf32, #tpu.memory_space<vmem>>, vector<16xf32>,
      tpu.vector_store %arg7[%swap3A_92, %swap3A_93], %gather3A_88 {strides = array<i32>} : memref<32x1024xf32, #tpu.memory_space<vmem>>, vector<16xf32>,
      %add3A_95 = arith.constant 7 : i32
      %add3A_96 = vector.broadcast %add3A_95 : i32 to vector<16xi32>
      %add3A_97 = arith.addi %mul3A_26, %add3A_96 : vector<16xi32>
      %gather3A_98 = tpu.vector_load_idx %arg5[%add3A_97] : memref<32768xf32, #tpu.memory_space<vmem>>[vector<16xi32>], vector<16xf32>,
      %mul3A_99 = arith.constant 16 : i32
      %mul3A_100 = arith.muli %scan3A_20, %mul3A_99 : i32
      %swap3A_101 = arith.constant 7 : i32
      %swap3A_102 = arith.index_cast %swap3A_101 : i32 to index
      %swap3A_103 = arith.index_cast %mul3A_100 : i32 to index
      %swap3A_104 = tpu.vector_load %arg7[%swap3A_102, %swap3A_103] {strides = array<i32>} : memref<32x1024xf32, #tpu.memory_space<vmem>>, vector<16xf32>,
      tpu.vector_store %arg7[%swap3A_102, %swap3A_103], %gather3A_98 {strides = array<i32>} : memref<32x1024xf32, #tpu.memory_space<vmem>>, vector<16xf32>,
      %add3A_105 = arith.constant 8 : i32
      %add3A_106 = vector.broadcast %add3A_105 : i32 to vector<16xi32>
      %add3A_107 = arith.addi %mul3A_26, %add3A_106 : vector<16xi32>
      %gather3A_108 = tpu.vector_load_idx %arg5[%add3A_107] : memref<32768xf32, #tpu.memory_space<vmem>>[vector<16xi32>], vector<16xf32>,
      %mul3A_109 = arith.constant 16 : i32
      %mul3A_110 = arith.muli %scan3A_20, %mul3A_109 : i32
      %swap3A_111 = arith.constant 8 : i32
      %swap3A_112 = arith.index_cast %swap3A_111 : i32 to index
      %swap3A_113 = arith.index_cast %mul3A_110 : i32 to index
      %swap3A_114 = tpu.vector_load %arg7[%swap3A_112, %swap3A_113] {strides = array<i32>} : memref<32x1024xf32, #tpu.memory_space<vmem>>, vector<16xf32>,
      tpu.vector_store %arg7[%swap3A_112, %swap3A_113], %gather3A_108 {strides = array<i32>} : memref<32x1024xf32, #tpu.memory_space<vmem>>, vector<16xf32>,
      %add3A_115 = arith.constant 9 : i32
      %add3A_116 = vector.broadcast %add3A_115 : i32 to vector<16xi32>
      %add3A_117 = arith.addi %mul3A_26, %add3A_116 : vector<16xi32>
      %gather3A_118 = tpu.vector_load_idx %arg5[%add3A_117] : memref<32768xf32, #tpu.memory_space<vmem>>[vector<16xi32>], vector<16xf32>,
      %mul3A_119 = arith.constant 16 : i32
      %mul3A_120 = arith.muli %scan3A_20, %mul3A_119 : i32
      %swap3A_121 = arith.constant 9 : i32
      %swap3A_122 = arith.index_cast %swap3A_121 : i32 to index
      %swap3A_123 = arith.index_cast %mul3A_120 : i32 to index
      %swap3A_124 = tpu.vector_load %arg7[%swap3A_122, %swap3A_123] {strides = array<i32>} : memref<32x1024xf32, #tpu.memory_space<vmem>>, vector<16xf32>,
      tpu.vector_store %arg7[%swap3A_122, %swap3A_123], %gather3A_118 {strides = array<i32>} : memref<32x1024xf32, #tpu.memory_space<vmem>>, vector<16xf32>,
      %add3A_125 = arith.constant 10 : i32
      %add3A_126 = vector.broadcast %add3A_125 : i32 to vector<16xi32>
      %add3A_127 = arith.addi %mul3A_26, %add3A_126 : vector<16xi32>
      %gather3A_128 = tpu.vector_load_idx %arg5[%add3A_127] : memref<32768xf32, #tpu.memory_space<vmem>>[vector<16xi32>], vector<16xf32>,
      %mul3A_129 = arith.constant 16 : i32
      %mul3A_130 = arith.muli %scan3A_20, %mul3A_129 : i32
      %swap3A_131 = arith.constant 10 : i32
      %swap3A_132 = arith.index_cast %swap3A_131 : i32 to index
      %swap3A_133 = arith.index_cast %mul3A_130 : i32 to index
      %swap3A_134 = tpu.vector_load %arg7[%swap3A_132, %swap3A_133] {strides = array<i32>} : memref<32x1024xf32, #tpu.memory_space<vmem>>, vector<16xf32>,
      tpu.vector_store %arg7[%swap3A_132, %swap3A_133], %gather3A_128 {strides = array<i32>} : memref<32x1024xf32, #tpu.memory_space<vmem>>, vector<16xf32>,
      %add3A_135 = arith.constant 11 : i32
      %add3A_136 = vector.broadcast %add3A_135 : i32 to vector<16xi32>
      %add3A_137 = arith.addi %mul3A_26, %add3A_136 : vector<16xi32>
      %gather3A_138 = tpu.vector_load_idx %arg5[%add3A_137] : memref<32768xf32, #tpu.memory_space<vmem>>[vector<16xi32>], vector<16xf32>,
      %mul3A_139 = arith.constant 16 : i32
      %mul3A_140 = arith.muli %scan3A_20, %mul3A_139 : i32
      %swap3A_141 = arith.constant 11 : i32
      %swap3A_142 = arith.index_cast %swap3A_141 : i32 to index
      %swap3A_143 = arith.index_cast %mul3A_140 : i32 to index
      %swap3A_144 = tpu.vector_load %arg7[%swap3A_142, %swap3A_143] {strides = array<i32>} : memref<32x1024xf32, #tpu.memory_space<vmem>>, vector<16xf32>,
      tpu.vector_store %arg7[%swap3A_142, %swap3A_143], %gather3A_138 {strides = array<i32>} : memref<32x1024xf32, #tpu.memory_space<vmem>>, vector<16xf32>,
      %add3A_145 = arith.constant 12 : i32
      %add3A_146 = vector.broadcast %add3A_145 : i32 to vector<16xi32>
      %add3A_147 = arith.addi %mul3A_26, %add3A_146 : vector<16xi32>
      %gather3A_148 = tpu.vector_load_idx %arg5[%add3A_147] : memref<32768xf32, #tpu.memory_space<vmem>>[vector<16xi32>], vector<16xf32>,
      %mul3A_149 = arith.constant 16 : i32
      %mul3A_150 = arith.muli %scan3A_20, %mul3A_149 : i32
      %swap3A_151 = arith.constant 12 : i32
      %swap3A_152 = arith.index_cast %swap3A_151 : i32 to index
      %swap3A_153 = arith.index_cast %mul3A_150 : i32 to index
      %swap3A_154 = tpu.vector_load %arg7[%swap3A_152, %swap3A_153] {strides = array<i32>} : memref<32x1024xf32, #tpu.memory_space<vmem>>, vector<16xf32>,
      tpu.vector_store %arg7[%swap3A_152, %swap3A_153], %gather3A_148 {strides = array<i32>} : memref<32x1024xf32, #tpu.memory_space<vmem>>, vector<16xf32>,
      %add3A_155 = arith.constant 13 : i32
      %add3A_156 = vector.broadcast %add3A_155 : i32 to vector<16xi32>
      %add3A_157 = arith.addi %mul3A_26, %add3A_156 : vector<16xi32>
      %gather3A_158 = tpu.vector_load_idx %arg5[%add3A_157] : memref<32768xf32, #tpu.memory_space<vmem>>[vector<16xi32>], vector<16xf32>,
      %mul3A_159 = arith.constant 16 : i32
      %mul3A_160 = arith.muli %scan3A_20, %mul3A_159 : i32
      %swap3A_161 = arith.constant 13 : i32
      %swap3A_162 = arith.index_cast %swap3A_161 : i32 to index
      %swap3A_163 = arith.index_cast %mul3A_160 : i32 to index
      %swap3A_164 = tpu.vector_load %arg7[%swap3A_162, %swap3A_163] {strides = array<i32>} : memref<32x1024xf32, #tpu.memory_space<vmem>>, vector<16xf32>,
      tpu.vector_store %arg7[%swap3A_162, %swap3A_163], %gather3A_158 {strides = array<i32>} : memref<32x1024xf32, #tpu.memory_space<vmem>>, vector<16xf32>,
      %add3A_165 = arith.constant 14 : i32
      %add3A_166 = vector.broadcast %add3A_165 : i32 to vector<16xi32>
      %add3A_167 = arith.addi %mul3A_26, %add3A_166 : vector<16xi32>
      %gather3A_168 = tpu.vector_load_idx %arg5[%add3A_167] : memref<32768xf32, #tpu.memory_space<vmem>>[vector<16xi32>], vector<16xf32>,
      %mul3A_169 = arith.constant 16 : i32
      %mul3A_170 = arith.muli %scan3A_20, %mul3A_169 : i32
      %swap3A_171 = arith.constant 14 : i32
      %swap3A_172 = arith.index_cast %swap3A_171 : i32 to index
      %swap3A_173 = arith.index_cast %mul3A_170 : i32 to index
      %swap3A_174 = tpu.vector_load %arg7[%swap3A_172, %swap3A_173] {strides = array<i32>} : memref<32x1024xf32, #tpu.memory_space<vmem>>, vector<16xf32>,
      tpu.vector_store %arg7[%swap3A_172, %swap3A_173], %gather3A_168 {strides = array<i32>} : memref<32x1024xf32, #tpu.memory_space<vmem>>, vector<16xf32>,
      %add3A_175 = arith.constant 15 : i32
      %add3A_176 = vector.broadcast %add3A_175 : i32 to vector<16xi32>
      %add3A_177 = arith.addi %mul3A_26, %add3A_176 : vector<16xi32>
      %gather3A_178 = tpu.vector_load_idx %arg5[%add3A_177] : memref<32768xf32, #tpu.memory_space<vmem>>[vector<16xi32>], vector<16xf32>,
      %mul3A_179 = arith.constant 16 : i32
      %mul3A_180 = arith.muli %scan3A_20, %mul3A_179 : i32
      %swap3A_181 = arith.constant 15 : i32
      %swap3A_182 = arith.index_cast %swap3A_181 : i32 to index
      %swap3A_183 = arith.index_cast %mul3A_180 : i32 to index
      %swap3A_184 = tpu.vector_load %arg7[%swap3A_182, %swap3A_183] {strides = array<i32>} : memref<32x1024xf32, #tpu.memory_space<vmem>>, vector<16xf32>,
      tpu.vector_store %arg7[%swap3A_182, %swap3A_183], %gather3A_178 {strides = array<i32>} : memref<32x1024xf32, #tpu.memory_space<vmem>>, vector<16xf32>,
      %add3A_185 = arith.constant 16 : i32
      %add3A_186 = vector.broadcast %add3A_185 : i32 to vector<16xi32>
      %add3A_187 = arith.addi %mul3A_26, %add3A_186 : vector<16xi32>
      %gather3A_188 = tpu.vector_load_idx %arg5[%add3A_187] : memref<32768xf32, #tpu.memory_space<vmem>>[vector<16xi32>], vector<16xf32>,
      %mul3A_189 = arith.constant 16 : i32
      %mul3A_190 = arith.muli %scan3A_20, %mul3A_189 : i32
      %swap3A_191 = arith.constant 16 : i32
      %swap3A_192 = arith.index_cast %swap3A_191 : i32 to index
      %swap3A_193 = arith.index_cast %mul3A_190 : i32 to index
      %swap3A_194 = tpu.vector_load %arg7[%swap3A_192, %swap3A_193] {strides = array<i32>} : memref<32x1024xf32, #tpu.memory_space<vmem>>, vector<16xf32>,
      tpu.vector_store %arg7[%swap3A_192, %swap3A_193], %gather3A_188 {strides = array<i32>} : memref<32x1024xf32, #tpu.memory_space<vmem>>, vector<16xf32>,
      %add3A_195 = arith.constant 17 : i32
      %add3A_196 = vector.broadcast %add3A_195 : i32 to vector<16xi32>
      %add3A_197 = arith.addi %mul3A_26, %add3A_196 : vector<16xi32>
      %gather3A_198 = tpu.vector_load_idx %arg5[%add3A_197] : memref<32768xf32, #tpu.memory_space<vmem>>[vector<16xi32>], vector<16xf32>,
      %mul3A_199 = arith.constant 16 : i32
      %mul3A_200 = arith.muli %scan3A_20, %mul3A_199 : i32
      %swap3A_201 = arith.constant 17 : i32
      %swap3A_202 = arith.index_cast %swap3A_201 : i32 to index
      %swap3A_203 = arith.index_cast %mul3A_200 : i32 to index
      %swap3A_204 = tpu.vector_load %arg7[%swap3A_202, %swap3A_203] {strides = array<i32>} : memref<32x1024xf32, #tpu.memory_space<vmem>>, vector<16xf32>,
      tpu.vector_store %arg7[%swap3A_202, %swap3A_203], %gather3A_198 {strides = array<i32>} : memref<32x1024xf32, #tpu.memory_space<vmem>>, vector<16xf32>,
      %add3A_205 = arith.constant 18 : i32
      %add3A_206 = vector.broadcast %add3A_205 : i32 to vector<16xi32>
      %add3A_207 = arith.addi %mul3A_26, %add3A_206 : vector<16xi32>
      %gather3A_208 = tpu.vector_load_idx %arg5[%add3A_207] : memref<32768xf32, #tpu.memory_space<vmem>>[vector<16xi32>], vector<16xf32>,
      %mul3A_209 = arith.constant 16 : i32
      %mul3A_210 = arith.muli %scan3A_20, %mul3A_209 : i32
      %swap3A_211 = arith.constant 18 : i32
      %swap3A_212 = arith.index_cast %swap3A_211 : i32 to index
      %swap3A_213 = arith.index_cast %mul3A_210 : i32 to index
      %swap3A_214 = tpu.vector_load %arg7[%swap3A_212, %swap3A_213] {strides = array<i32>} : memref<32x1024xf32, #tpu.memory_space<vmem>>, vector<16xf32>,
      tpu.vector_store %arg7[%swap3A_212, %swap3A_213], %gather3A_208 {strides = array<i32>} : memref<32x1024xf32, #tpu.memory_space<vmem>>, vector<16xf32>,
      %add3A_215 = arith.constant 19 : i32
      %add3A_216 = vector.broadcast %add3A_215 : i32 to vector<16xi32>
      %add3A_217 = arith.addi %mul3A_26, %add3A_216 : vector<16xi32>
      %gather3A_218 = tpu.vector_load_idx %arg5[%add3A_217] : memref<32768xf32, #tpu.memory_space<vmem>>[vector<16xi32>], vector<16xf32>,
      %mul3A_219 = arith.constant 16 : i32
      %mul3A_220 = arith.muli %scan3A_20, %mul3A_219 : i32
      %swap3A_221 = arith.constant 19 : i32
      %swap3A_222 = arith.index_cast %swap3A_221 : i32 to index
      %swap3A_223 = arith.index_cast %mul3A_220 : i32 to index
      %swap3A_224 = tpu.vector_load %arg7[%swap3A_222, %swap3A_223] {strides = array<i32>} : memref<32x1024xf32, #tpu.memory_space<vmem>>, vector<16xf32>,
      tpu.vector_store %arg7[%swap3A_222, %swap3A_223], %gather3A_218 {strides = array<i32>} : memref<32x1024xf32, #tpu.memory_space<vmem>>, vector<16xf32>,
      %add3A_225 = arith.constant 20 : i32
      %add3A_226 = vector.broadcast %add3A_225 : i32 to vector<16xi32>
      %add3A_227 = arith.addi %mul3A_26, %add3A_226 : vector<16xi32>
      %gather3A_228 = tpu.vector_load_idx %arg5[%add3A_227] : memref<32768xf32, #tpu.memory_space<vmem>>[vector<16xi32>], vector<16xf32>,
      %mul3A_229 = arith.constant 16 : i32
      %mul3A_230 = arith.muli %scan3A_20, %mul3A_229 : i32
      %swap3A_231 = arith.constant 20 : i32
      %swap3A_232 = arith.index_cast %swap3A_231 : i32 to index
      %swap3A_233 = arith.index_cast %mul3A_230 : i32 to index
      %swap3A_234 = tpu.vector_load %arg7[%swap3A_232, %swap3A_233] {strides = array<i32>} : memref<32x1024xf32, #tpu.memory_space<vmem>>, vector<16xf32>,
      tpu.vector_store %arg7[%swap3A_232, %swap3A_233], %gather3A_228 {strides = array<i32>} : memref<32x1024xf32, #tpu.memory_space<vmem>>, vector<16xf32>,
      %add3A_235 = arith.constant 21 : i32
      %add3A_236 = vector.broadcast %add3A_235 : i32 to vector<16xi32>
      %add3A_237 = arith.addi %mul3A_26, %add3A_236 : vector<16xi32>
      %gather3A_238 = tpu.vector_load_idx %arg5[%add3A_237] : memref<32768xf32, #tpu.memory_space<vmem>>[vector<16xi32>], vector<16xf32>,
      %mul3A_239 = arith.constant 16 : i32
      %mul3A_240 = arith.muli %scan3A_20, %mul3A_239 : i32
      %swap3A_241 = arith.constant 21 : i32
      %swap3A_242 = arith.index_cast %swap3A_241 : i32 to index
      %swap3A_243 = arith.index_cast %mul3A_240 : i32 to index
      %swap3A_244 = tpu.vector_load %arg7[%swap3A_242, %swap3A_243] {strides = array<i32>} : memref<32x1024xf32, #tpu.memory_space<vmem>>, vector<16xf32>,
      tpu.vector_store %arg7[%swap3A_242, %swap3A_243], %gather3A_238 {strides = array<i32>} : memref<32x1024xf32, #tpu.memory_space<vmem>>, vector<16xf32>,
      %add3A_245 = arith.constant 22 : i32
      %add3A_246 = vector.broadcast %add3A_245 : i32 to vector<16xi32>
      %add3A_247 = arith.addi %mul3A_26, %add3A_246 : vector<16xi32>
      %gather3A_248 = tpu.vector_load_idx %arg5[%add3A_247] : memref<32768xf32, #tpu.memory_space<vmem>>[vector<16xi32>], vector<16xf32>,
      %mul3A_249 = arith.constant 16 : i32
      %mul3A_250 = arith.muli %scan3A_20, %mul3A_249 : i32
      %swap3A_251 = arith.constant 22 : i32
      %swap3A_252 = arith.index_cast %swap3A_251 : i32 to index
      %swap3A_253 = arith.index_cast %mul3A_250 : i32 to index
      %swap3A_254 = tpu.vector_load %arg7[%swap3A_252, %swap3A_253] {strides = array<i32>} : memref<32x1024xf32, #tpu.memory_space<vmem>>, vector<16xf32>,
      tpu.vector_store %arg7[%swap3A_252, %swap3A_253], %gather3A_248 {strides = array<i32>} : memref<32x1024xf32, #tpu.memory_space<vmem>>, vector<16xf32>,
      %add3A_255 = arith.constant 23 : i32
      %add3A_256 = vector.broadcast %add3A_255 : i32 to vector<16xi32>
      %add3A_257 = arith.addi %mul3A_26, %add3A_256 : vector<16xi32>
      %gather3A_258 = tpu.vector_load_idx %arg5[%add3A_257] : memref<32768xf32, #tpu.memory_space<vmem>>[vector<16xi32>], vector<16xf32>,
      %mul3A_259 = arith.constant 16 : i32
      %mul3A_260 = arith.muli %scan3A_20, %mul3A_259 : i32
      %swap3A_261 = arith.constant 23 : i32
      %swap3A_262 = arith.index_cast %swap3A_261 : i32 to index
      %swap3A_263 = arith.index_cast %mul3A_260 : i32 to index
      %swap3A_264 = tpu.vector_load %arg7[%swap3A_262, %swap3A_263] {strides = array<i32>} : memref<32x1024xf32, #tpu.memory_space<vmem>>, vector<16xf32>,
      tpu.vector_store %arg7[%swap3A_262, %swap3A_263], %gather3A_258 {strides = array<i32>} : memref<32x1024xf32, #tpu.memory_space<vmem>>, vector<16xf32>,
      %add3A_265 = arith.constant 24 : i32
      %add3A_266 = vector.broadcast %add3A_265 : i32 to vector<16xi32>
      %add3A_267 = arith.addi %mul3A_26, %add3A_266 : vector<16xi32>
      %gather3A_268 = tpu.vector_load_idx %arg5[%add3A_267] : memref<32768xf32, #tpu.memory_space<vmem>>[vector<16xi32>], vector<16xf32>,
      %mul3A_269 = arith.constant 16 : i32
      %mul3A_270 = arith.muli %scan3A_20, %mul3A_269 : i32
      %swap3A_271 = arith.constant 24 : i32
      %swap3A_272 = arith.index_cast %swap3A_271 : i32 to index
      %swap3A_273 = arith.index_cast %mul3A_270 : i32 to index
      %swap3A_274 = tpu.vector_load %arg7[%swap3A_272, %swap3A_273] {strides = array<i32>} : memref<32x1024xf32, #tpu.memory_space<vmem>>, vector<16xf32>,
      tpu.vector_store %arg7[%swap3A_272, %swap3A_273], %gather3A_268 {strides = array<i32>} : memref<32x1024xf32, #tpu.memory_space<vmem>>, vector<16xf32>,
      %add3A_275 = arith.constant 25 : i32
      %add3A_276 = vector.broadcast %add3A_275 : i32 to vector<16xi32>
      %add3A_277 = arith.addi %mul3A_26, %add3A_276 : vector<16xi32>
      %gather3A_278 = tpu.vector_load_idx %arg5[%add3A_277] : memref<32768xf32, #tpu.memory_space<vmem>>[vector<16xi32>], vector<16xf32>,
      %mul3A_279 = arith.constant 16 : i32
      %mul3A_280 = arith.muli %scan3A_20, %mul3A_279 : i32
      %swap3A_281 = arith.constant 25 : i32
      %swap3A_282 = arith.index_cast %swap3A_281 : i32 to index
      %swap3A_283 = arith.index_cast %mul3A_280 : i32 to index
      %swap3A_284 = tpu.vector_load %arg7[%swap3A_282, %swap3A_283] {strides = array<i32>} : memref<32x1024xf32, #tpu.memory_space<vmem>>, vector<16xf32>,
      tpu.vector_store %arg7[%swap3A_282, %swap3A_283], %gather3A_278 {strides = array<i32>} : memref<32x1024xf32, #tpu.memory_space<vmem>>, vector<16xf32>,
      %add3A_285 = arith.constant 26 : i32
      %add3A_286 = vector.broadcast %add3A_285 : i32 to vector<16xi32>
      %add3A_287 = arith.addi %mul3A_26, %add3A_286 : vector<16xi32>
      %gather3A_288 = tpu.vector_load_idx %arg5[%add3A_287] : memref<32768xf32, #tpu.memory_space<vmem>>[vector<16xi32>], vector<16xf32>,
      %mul3A_289 = arith.constant 16 : i32
      %mul3A_290 = arith.muli %scan3A_20, %mul3A_289 : i32
      %swap3A_291 = arith.constant 26 : i32
      %swap3A_292 = arith.index_cast %swap3A_291 : i32 to index
      %swap3A_293 = arith.index_cast %mul3A_290 : i32 to index
      %swap3A_294 = tpu.vector_load %arg7[%swap3A_292, %swap3A_293] {strides = array<i32>} : memref<32x1024xf32, #tpu.memory_space<vmem>>, vector<16xf32>,
      tpu.vector_store %arg7[%swap3A_292, %swap3A_293], %gather3A_288 {strides = array<i32>} : memref<32x1024xf32, #tpu.memory_space<vmem>>, vector<16xf32>,
      %add3A_295 = arith.constant 27 : i32
      %add3A_296 = vector.broadcast %add3A_295 : i32 to vector<16xi32>
      %add3A_297 = arith.addi %mul3A_26, %add3A_296 : vector<16xi32>
      %gather3A_298 = tpu.vector_load_idx %arg5[%add3A_297] : memref<32768xf32, #tpu.memory_space<vmem>>[vector<16xi32>], vector<16xf32>,
      %mul3A_299 = arith.constant 16 : i32
      %mul3A_300 = arith.muli %scan3A_20, %mul3A_299 : i32
      %swap3A_301 = arith.constant 27 : i32
      %swap3A_302 = arith.index_cast %swap3A_301 : i32 to index
      %swap3A_303 = arith.index_cast %mul3A_300 : i32 to index
      %swap3A_304 = tpu.vector_load %arg7[%swap3A_302, %swap3A_303] {strides = array<i32>} : memref<32x1024xf32, #tpu.memory_space<vmem>>, vector<16xf32>,
      tpu.vector_store %arg7[%swap3A_302, %swap3A_303], %gather3A_298 {strides = array<i32>} : memref<32x1024xf32, #tpu.memory_space<vmem>>, vector<16xf32>,
      %add3A_305 = arith.constant 28 : i32
      %add3A_306 = vector.broadcast %add3A_305 : i32 to vector<16xi32>
      %add3A_307 = arith.addi %mul3A_26, %add3A_306 : vector<16xi32>
      %gather3A_308 = tpu.vector_load_idx %arg5[%add3A_307] : memref<32768xf32, #tpu.memory_space<vmem>>[vector<16xi32>], vector<16xf32>,
      %mul3A_309 = arith.constant 16 : i32
      %mul3A_310 = arith.muli %scan3A_20, %mul3A_309 : i32
      %swap3A_311 = arith.constant 28 : i32
      %swap3A_312 = arith.index_cast %swap3A_311 : i32 to index
      %swap3A_313 = arith.index_cast %mul3A_310 : i32 to index
      %swap3A_314 = tpu.vector_load %arg7[%swap3A_312, %swap3A_313] {strides = array<i32>} : memref<32x1024xf32, #tpu.memory_space<vmem>>, vector<16xf32>,
      tpu.vector_store %arg7[%swap3A_312, %swap3A_313], %gather3A_308 {strides = array<i32>} : memref<32x1024xf32, #tpu.memory_space<vmem>>, vector<16xf32>,
      %add3A_315 = arith.constant 29 : i32
      %add3A_316 = vector.broadcast %add3A_315 : i32 to vector<16xi32>
      %add3A_317 = arith.addi %mul3A_26, %add3A_316 : vector<16xi32>
      %gather3A_318 = tpu.vector_load_idx %arg5[%add3A_317] : memref<32768xf32, #tpu.memory_space<vmem>>[vector<16xi32>], vector<16xf32>,
      %mul3A_319 = arith.constant 16 : i32
      %mul3A_320 = arith.muli %scan3A_20, %mul3A_319 : i32
      %swap3A_321 = arith.constant 29 : i32
      %swap3A_322 = arith.index_cast %swap3A_321 : i32 to index
      %swap3A_323 = arith.index_cast %mul3A_320 : i32 to index
      %swap3A_324 = tpu.vector_load %arg7[%swap3A_322, %swap3A_323] {strides = array<i32>} : memref<32x1024xf32, #tpu.memory_space<vmem>>, vector<16xf32>,
      tpu.vector_store %arg7[%swap3A_322, %swap3A_323], %gather3A_318 {strides = array<i32>} : memref<32x1024xf32, #tpu.memory_space<vmem>>, vector<16xf32>,
      %add3A_325 = arith.constant 30 : i32
      %add3A_326 = vector.broadcast %add3A_325 : i32 to vector<16xi32>
      %add3A_327 = arith.addi %mul3A_26, %add3A_326 : vector<16xi32>
      %gather3A_328 = tpu.vector_load_idx %arg5[%add3A_327] : memref<32768xf32, #tpu.memory_space<vmem>>[vector<16xi32>], vector<16xf32>,
      %mul3A_329 = arith.constant 16 : i32
      %mul3A_330 = arith.muli %scan3A_20, %mul3A_329 : i32
      %swap3A_331 = arith.constant 30 : i32
      %swap3A_332 = arith.index_cast %swap3A_331 : i32 to index
      %swap3A_333 = arith.index_cast %mul3A_330 : i32 to index
      %swap3A_334 = tpu.vector_load %arg7[%swap3A_332, %swap3A_333] {strides = array<i32>} : memref<32x1024xf32, #tpu.memory_space<vmem>>, vector<16xf32>,
      tpu.vector_store %arg7[%swap3A_332, %swap3A_333], %gather3A_328 {strides = array<i32>} : memref<32x1024xf32, #tpu.memory_space<vmem>>, vector<16xf32>,
      %add3A_335 = arith.constant 31 : i32
      %add3A_336 = vector.broadcast %add3A_335 : i32 to vector<16xi32>
      %add3A_337 = arith.addi %mul3A_26, %add3A_336 : vector<16xi32>
      %gather3A_338 = tpu.vector_load_idx %arg5[%add3A_337] : memref<32768xf32, #tpu.memory_space<vmem>>[vector<16xi32>], vector<16xf32>,
      %mul3A_339 = arith.constant 16 : i32
      %mul3A_340 = arith.muli %scan3A_20, %mul3A_339 : i32
      %swap3A_341 = arith.constant 31 : i32
      %swap3A_342 = arith.index_cast %swap3A_341 : i32 to index
      %swap3A_343 = arith.index_cast %mul3A_340 : i32 to index
      %swap3A_344 = tpu.vector_load %arg7[%swap3A_342, %swap3A_343] {strides = array<i32>} : memref<32x1024xf32, #tpu.memory_space<vmem>>, vector<16xf32>,
      tpu.vector_store %arg7[%swap3A_342, %swap3A_343], %gather3A_338 {strides = array<i32>} : memref<32x1024xf32, #tpu.memory_space<vmem>>, vector<16xf32>,
    }
    %scan3A_19 = arith.constant 64 : i32
    "tpu.region"() ({
      %run_scoped3A = tpu.sem_alloc : memref<!tpu.dma_semaphore, #tpu.memory_space<semaphore_mem>>
      %dma_start3A = arith.constant 0 : i32
      %dma_start3A_20 = arith.constant 0 : i32
      %dma_start3A_21 = tpu.memref_slice %arg4[%add3A_13, %dma_start3A, %dma_start3A_20] : memref<64x32x1024xf32, #tpu.memory_space<hbm>> -> memref<1x32x1024xf32, #tpu.memory_space<hbm>>
      %dma_start3A_22 = tpu.memref_squeeze %dma_start3A_21 : memref<1x32x1024xf32, #tpu.memory_space<hbm>> -> memref<32x1024xf32, #tpu.memory_space<hbm>>
      %dma_start3A_23 = arith.constant 0 : i32
      %dma_start3A_24 = arith.constant 0 : i32
      %dma_start3A_25 = tpu.memref_slice %arg4[%add3A_13, %dma_start3A_23, %dma_start3A_24] : memref<64x32x1024xf32, #tpu.memory_space<hbm>> -> memref<1x32x1024xf32, #tpu.memory_space<hbm>>
      %dma_start3A_26 = tpu.memref_squeeze %dma_start3A_25 : memref<1x32x1024xf32, #tpu.memory_space<hbm>> -> memref<32x1024xf32, #tpu.memory_space<hbm>>
      tpu.enqueue_dma source(%arg7 : memref<32x1024xf32, #tpu.memory_space<vmem>>) target(%dma_start3A_26 : memref<32x1024xf32, #tpu.memory_space<hbm>>) target_semaphore(%run_scoped3A : memref<!tpu.dma_semaphore, #tpu.memory_space<semaphore_mem>>)
      %dma_wait3A = arith.constant 0 : i32
      %dma_wait3A_27 = arith.constant 0 : i32
      %dma_wait3A_28 = tpu.memref_slice %arg4[%add3A_13, %dma_wait3A, %dma_wait3A_27] : memref<64x32x1024xf32, #tpu.memory_space<hbm>> -> memref<1x32x1024xf32, #tpu.memory_space<hbm>>
      %dma_wait3A_29 = tpu.memref_squeeze %dma_wait3A_28 : memref<1x32x1024xf32, #tpu.memory_space<hbm>> -> memref<32x1024xf32, #tpu.memory_space<hbm>>
      %dma_wait3A_30 = arith.constant 0 : i32
      %dma_wait3A_31 = arith.constant 0 : i32
      %dma_wait3A_32 = tpu.memref_slice %arg4[%add3A_13, %dma_wait3A_30, %dma_wait3A_31] : memref<64x32x1024xf32, #tpu.memory_space<hbm>> -> memref<1x32x1024xf32, #tpu.memory_space<hbm>>
      %dma_wait3A_33 = tpu.memref_squeeze %dma_wait3A_32 : memref<1x32x1024xf32, #tpu.memory_space<hbm>> -> memref<32x1024xf32, #tpu.memory_space<hbm>>
      tpu.wait_dma2 semaphore(%run_scoped3A : memref<!tpu.dma_semaphore, #tpu.memory_space<semaphore_mem>>) src(%arg7 : memref<32x1024xf32, #tpu.memory_space<vmem>>) dst(%dma_wait3A_33 : memref<32x1024xf32, #tpu.memory_space<hbm>>)
      tpu.yield
    }) : () -> ()
    return
  }
}

module attributes {stable_mosaic.version = 14 : i64} {
  func.func @_vq_kernel(%arg0: i32, %arg1: memref<8x32x1024xf32, #tpu.memory_space<vmem>>, %arg2: memref<1024x32xf32, #tpu.memory_space<vmem>>, %arg3: memref<8x1x1024xi32, #tpu.memory_space<vmem>>, %arg4: memref<1x1xf32, #tpu.memory_space<vmem>>, %arg5: memref<1x1xf32, #tpu.memory_space<vmem>>, %arg6: memref<1024x32xf32, #tpu.memory_space<vmem>>, %arg7: memref<1024x32xf32, #tpu.memory_space<vmem>>, %arg8: memref<8x1024xf32, #tpu.memory_space<vmem>>, %arg9: memref<1x8192xf32, #tpu.memory_space<vmem>>) attributes {dimension_semantics = [#tpu.dimension_semantics<arbitrary>], iteration_bounds = array<i64: 8>, scalar_prefetch = 0 : i64, scratch_operands = 3 : i64, tpu.core_type = #tpu.core_type<tc>, window_params = [{transform_indices = @transform_0, window_bounds = array<i64: 8, 32, 1024>}, {pipeline_mode = #tpu.pipeline_mode<synchronous>, transform_indices = @transform_1, window_bounds = array<i64: 1024, 32>}, {transform_indices = @transform_2, window_bounds = array<i64: 8, 1, 1024>}, {pipeline_mode = #tpu.pipeline_mode<synchronous>, transform_indices = @transform_3, window_bounds = array<i64: 1, 1>}, {pipeline_mode = #tpu.pipeline_mode<synchronous>, transform_indices = @transform_4, window_bounds = array<i64: 1, 1>}, {pipeline_mode = #tpu.pipeline_mode<synchronous>, transform_indices = @transform_5, window_bounds = array<i64: 1024, 32>}]} {
    %eq3A = arith.constant 0 : i32
    %eq3A_0 = arith.cmpi eq, %arg0, %eq3A : i32
    %convert_element_type3A = arith.extui %eq3A_0 : i1 to i32
    %cond3A = arith.constant 0 : i32
    %cond3A_1 = arith.cmpi ne, %convert_element_type3A, %cond3A : i32
    scf.if %cond3A_1 {
      %get3A_140 = arith.constant 0 : index
      %get3A_141 = arith.constant 0 : index
      %get3A_142 = vector.load %arg2[%get3A_140, %get3A_141] : memref<1024x32xf32, #tpu.memory_space<vmem>>, vector<1024x32xf32>
      %mul3A_143 = arith.mulf %get3A_142, %get3A_142 : vector<1024x32xf32>
      %reduce_sum3A_144 = arith.constant dense<0.000000e+00> : vector<1024xf32>
      %reduce_sum3A_145 = vector.multi_reduction <add>, %mul3A_143, %reduce_sum3A_144 [1] : vector<1024x32xf32> to vector<1024xf32>
      %broadcast_in_dim3A_146 = vector.shape_cast %reduce_sum3A_145 : vector<1024xf32> to vector<1024x1xf32>
      %sqrt3A_147 = math.sqrt %broadcast_in_dim3A_146 : vector<1024x1xf32>
      %max3A_148 = arith.constant 9.99999996E-13 : f32
      %max3A_149 = vector.broadcast %max3A_148 : f32 to vector<1024x1xf32>
      %max3A_150 = arith.maximumf %sqrt3A_147, %max3A_149 : vector<1024x1xf32>
      %div3A_151 = vector.broadcast %max3A_150 : vector<1024x1xf32> to vector<1024x32xf32>
      %div3A_152 = arith.divf %get3A_142, %div3A_151 : vector<1024x32xf32>
      %swap3A_153 = arith.constant 0 : index
      %swap3A_154 = arith.constant 0 : index
      %swap3A_155 = vector.load %arg6[%swap3A_153, %swap3A_154] : memref<1024x32xf32, #tpu.memory_space<vmem>>, vector<1024x32xf32>
      tpu.vector_store %arg6[%swap3A_153, %swap3A_154], %div3A_152 {strides = array<i32>} : memref<1024x32xf32, #tpu.memory_space<vmem>>, vector<1024x32xf32>,
      %mul3A_156 = arith.constant -2.000000e+00 : f32
      %mul3A_157 = vector.broadcast %mul3A_156 : f32 to vector<1024x32xf32>
      %mul3A_158 = arith.mulf %mul3A_157, %div3A_152 : vector<1024x32xf32>
      %swap3A_159 = arith.constant 0 : index
      %swap3A_160 = arith.constant 0 : index
      %swap3A_161 = vector.load %arg7[%swap3A_159, %swap3A_160] : memref<1024x32xf32, #tpu.memory_space<vmem>>, vector<1024x32xf32>
      tpu.vector_store %arg7[%swap3A_159, %swap3A_160], %mul3A_158 {strides = array<i32>} : memref<1024x32xf32, #tpu.memory_space<vmem>>, vector<1024x32xf32>,
      %iota3A = tpu.iota {dimensions = array<i32: 1>} : vector<1x1024xi32>
      %broadcast_in_dim3A_162 = arith.constant 1.000000e+00 : f32
      %broadcast_in_dim3A_163 = vector.broadcast %broadcast_in_dim3A_162 : f32 to vector<1x1024xf32>
      %swap3A_164 = arith.constant 0 : index
      %swap3A_165 = arith.constant 0 : index
      %swap3A_166 = vector.load %arg8[%swap3A_164, %swap3A_165] : memref<8x1024xf32, #tpu.memory_space<vmem>>, vector<1x1024xf32>
      tpu.vector_store %arg8[%swap3A_164, %swap3A_165], %broadcast_in_dim3A_163 {strides = array<i32>} : memref<8x1024xf32, #tpu.memory_space<vmem>>, vector<1x1024xf32>,
      %jit3A = arith.constant 8 : i32
      %div3A_167 = vector.broadcast %jit3A : i32 to vector<1x1024xi32>
      %div3A_168 = arith.divsi %iota3A, %div3A_167 : vector<1x1024xi32>
      %sign3A = arith.constant 0 : i32
      %sign3A_169 = vector.broadcast %sign3A : i32 to vector<1x1024xi32>
      %sign3A_170 = arith.cmpi sgt, %iota3A, %sign3A_169 : vector<1x1024xi32>
      %sign3A_171 = arith.extui %sign3A_170 : vector<1x1024xi1> to vector<1x1024xi32>
      %sign3A_172 = arith.constant 0 : i32
      %sign3A_173 = vector.broadcast %sign3A_172 : i32 to vector<1x1024xi32>
      %sign3A_174 = arith.cmpi slt, %iota3A, %sign3A_173 : vector<1x1024xi32>
      %sign3A_175 = arith.extui %sign3A_174 : vector<1x1024xi1> to vector<1x1024xi32>
      %sign3A_176 = arith.subi %sign3A_171, %sign3A_175 : vector<1x1024xi32>
      %sign3A_177 = arith.constant 0 : i32
      %sign3A_178 = arith.cmpi sgt, %jit3A, %sign3A_177 : i32
      %sign3A_179 = arith.extui %sign3A_178 : i1 to i32
      %sign3A_180 = arith.constant 0 : i32
      %sign3A_181 = arith.cmpi slt, %jit3A, %sign3A_180 : i32
      %sign3A_182 = arith.extui %sign3A_181 : i1 to i32
      %sign3A_183 = arith.subi %sign3A_179, %sign3A_182 : i32
      %ne3A = vector.broadcast %sign3A_183 : i32 to vector<1x1024xi32>
      %ne3A_184 = arith.cmpi ne, %sign3A_176, %ne3A : vector<1x1024xi32>
      %rem3A = vector.broadcast %jit3A : i32 to vector<1x1024xi32>
      %rem3A_185 = arith.remsi %iota3A, %rem3A : vector<1x1024xi32>
      %ne3A_186 = arith.constant 0 : i32
      %ne3A_187 = vector.broadcast %ne3A_186 : i32 to vector<1x1024xi32>
      %ne3A_188 = arith.cmpi ne, %rem3A_185, %ne3A_187 : vector<1x1024xi32>
      %and3A = arith.andi %ne3A_184, %ne3A_188 : vector<1x1024xi1>
      %sub3A = arith.constant 1 : i32
      %sub3A_189 = vector.broadcast %sub3A : i32 to vector<1x1024xi32>
      %sub3A_190 = arith.subi %div3A_168, %sub3A_189 : vector<1x1024xi32>
      %select_n3A = arith.select %and3A, %sub3A_190, %div3A_168 : vector<1x1024xi1>, vector<1x1024xi32>
      %convert_element_type3A_191 = arith.sitofp %select_n3A : vector<1x1024xi32> to vector<1x1024xf32>
      %swap3A_192 = arith.constant 1 : index
      %swap3A_193 = arith.constant 0 : index
      %swap3A_194 = vector.load %arg8[%swap3A_192, %swap3A_193] : memref<8x1024xf32, #tpu.memory_space<vmem>>, vector<1x1024xf32>
      tpu.vector_store %arg8[%swap3A_192, %swap3A_193], %convert_element_type3A_191 {strides = array<i32>} : memref<8x1024xf32, #tpu.memory_space<vmem>>, vector<1x1024xf32>,
      %jit3A_195 = arith.constant 8 : i32
      %eq3A_196 = arith.constant 0 : i32
      %eq3A_197 = arith.cmpi eq, %jit3A_195, %eq3A_196 : i32
      %jit3A_198 = arith.constant 1 : i32
      %select_n3A_199 = arith.select %eq3A_197, %jit3A_198, %jit3A_195 : i32
      %rem3A_200 = vector.broadcast %select_n3A_199 : i32 to vector<1x1024xi32>
      %rem3A_201 = arith.remsi %iota3A, %rem3A_200 : vector<1x1024xi32>
      %ne3A_202 = arith.constant 0 : i32
      %ne3A_203 = vector.broadcast %ne3A_202 : i32 to vector<1x1024xi32>
      %ne3A_204 = arith.cmpi ne, %rem3A_201, %ne3A_203 : vector<1x1024xi32>
      %lt3A = arith.constant 0 : i32
      %lt3A_205 = vector.broadcast %lt3A : i32 to vector<1x1024xi32>
      %lt3A_206 = arith.cmpi slt, %rem3A_201, %lt3A_205 : vector<1x1024xi32>
      %lt3A_207 = arith.constant 0 : i32
      %lt3A_208 = arith.cmpi slt, %select_n3A_199, %lt3A_207 : i32
      %ne3A_209 = vector.broadcast %lt3A_208 : i1 to vector<1x1024xi1>
      %ne3A_210 = vector.broadcast %ne3A_209 : vector<1x1024xi1> to vector<1x1024xi1>
      %ne3A_211 = arith.xori %lt3A_206, %ne3A_210 : vector<1x1024xi1>
      %and3A_212 = arith.andi %ne3A_211, %ne3A_204 : vector<1x1024xi1>
      %add3A_213 = vector.broadcast %select_n3A_199 : i32 to vector<1x1024xi32>
      %add3A_214 = arith.addi %rem3A_201, %add3A_213 : vector<1x1024xi32>
      %select_n3A_215 = arith.select %and3A_212, %add3A_214, %rem3A_201 : vector<1x1024xi1>, vector<1x1024xi32>
      %convert_element_type3A_216 = arith.sitofp %select_n3A_215 : vector<1x1024xi32> to vector<1x1024xf32>
      %swap3A_217 = arith.constant 2 : index
      %swap3A_218 = arith.constant 0 : index
      %swap3A_219 = vector.load %arg8[%swap3A_217, %swap3A_218] : memref<8x1024xf32, #tpu.memory_space<vmem>>, vector<1x1024xf32>
      tpu.vector_store %arg8[%swap3A_217, %swap3A_218], %convert_element_type3A_216 {strides = array<i32>} : memref<8x1024xf32, #tpu.memory_space<vmem>>, vector<1x1024xf32>,
      %broadcast_in_dim3A_220 = arith.constant 0.000000e+00 : f32
      %broadcast_in_dim3A_221 = vector.broadcast %broadcast_in_dim3A_220 : f32 to vector<5x1024xf32>
      %swap3A_222 = arith.constant 3 : index
      %swap3A_223 = arith.constant 0 : index
      %swap3A_224 = vector.load %arg8[%swap3A_222, %swap3A_223] : memref<8x1024xf32, #tpu.memory_space<vmem>>, vector<5x1024xf32>
      tpu.vector_store %arg8[%swap3A_222, %swap3A_223], %broadcast_in_dim3A_221 {strides = array<i32>} : memref<8x1024xf32, #tpu.memory_space<vmem>>, vector<5x1024xf32>,
      %broadcast_in_dim3A_225 = arith.constant 0.000000e+00 : f32
      %broadcast_in_dim3A_226 = vector.broadcast %broadcast_in_dim3A_225 : f32 to vector<1x8192xf32>
      %swap3A_227 = arith.constant 0 : index
      %swap3A_228 = arith.constant 0 : index
      %swap3A_229 = vector.load %arg9[%swap3A_227, %swap3A_228] : memref<1x8192xf32, #tpu.memory_space<vmem>>, vector<1x8192xf32>
      tpu.vector_store %arg9[%swap3A_227, %swap3A_228], %broadcast_in_dim3A_226 {strides = array<i32>} : memref<1x8192xf32, #tpu.memory_space<vmem>>, vector<1x8192xf32>,
      %reshape3A = vector.shape_cast %div3A_152 : vector<1024x32xf32> to vector<32x32x32xf32>
      %slice3A_230 = vector.extract_strided_slice %reshape3A {offsets = [0, 1, 0], sizes = [32, 31, 32], strides = [1, 1, 1]} : vector<32x32x32xf32> to vector<32x31x32xf32>
      %slice3A_231 = vector.extract_strided_slice %reshape3A {offsets = [0, 0, 0], sizes = [32, 31, 32], strides = [1, 1, 1]} : vector<32x32x32xf32> to vector<32x31x32xf32>
      %sub3A_232 = arith.subf %slice3A_230, %slice3A_231 : vector<32x31x32xf32>
      %slice3A_233 = vector.extract_strided_slice %reshape3A {offsets = [1, 0, 0], sizes = [31, 32, 32], strides = [1, 1, 1]} : vector<32x32x32xf32> to vector<31x32x32xf32>
      %slice3A_234 = vector.extract_strided_slice %reshape3A {offsets = [0, 0, 0], sizes = [31, 32, 32], strides = [1, 1, 1]} : vector<32x32x32xf32> to vector<31x32x32xf32>
      %sub3A_235 = arith.subf %slice3A_233, %slice3A_234 : vector<31x32x32xf32>
      %slice3A_236 = vector.extract_strided_slice %reshape3A {offsets = [0, 0, 0], sizes = [32, 1, 32], strides = [1, 1, 1]} : vector<32x32x32xf32> to vector<32x1x32xf32>
      %squeeze3A = vector.shape_cast %slice3A_236 : vector<32x1x32xf32> to vector<32x32xf32>
      %slice3A_237 = vector.extract_strided_slice %reshape3A {offsets = [0, 31, 0], sizes = [32, 1, 32], strides = [1, 1, 1]} : vector<32x32x32xf32> to vector<32x1x32xf32>
      %squeeze3A_238 = vector.shape_cast %slice3A_237 : vector<32x1x32xf32> to vector<32x32xf32>
      %sub3A_239 = arith.subf %squeeze3A, %squeeze3A_238 : vector<32x32xf32>
      %slice3A_240 = vector.extract_strided_slice %reshape3A {offsets = [0, 0, 0], sizes = [1, 32, 32], strides = [1, 1, 1]} : vector<32x32x32xf32> to vector<1x32x32xf32>
      %squeeze3A_241 = vector.shape_cast %slice3A_240 : vector<1x32x32xf32> to vector<32x32xf32>
      %slice3A_242 = vector.extract_strided_slice %reshape3A {offsets = [31, 0, 0], sizes = [1, 32, 32], strides = [1, 1, 1]} : vector<32x32x32xf32> to vector<1x32x32xf32>
      %squeeze3A_243 = vector.shape_cast %slice3A_242 : vector<1x32x32xf32> to vector<32x32xf32>
      %sub3A_244 = arith.subf %squeeze3A_241, %squeeze3A_243 : vector<32x32xf32>
      %mul3A_245 = arith.mulf %sub3A_232, %sub3A_232 : vector<32x31x32xf32>
      %reduce_sum3A_246 = vector.shape_cast %mul3A_245 : vector<32x31x32xf32> to vector<1x32x31x32xf32>
      %reduce_sum3A_247 = arith.constant dense<0.000000e+00> : vector<1xf32>
      %reduce_sum3A_248 = vector.multi_reduction <add>, %reduce_sum3A_246, %reduce_sum3A_247 [1, 2, 3] : vector<1x32x31x32xf32> to vector<1xf32>
      %reduce_sum3A_249 = vector.shape_cast %reduce_sum3A_248 : vector<1xf32> to vector<1x1x1x1xf32>
      %reduce_sum3A_250 = vector.extract %reduce_sum3A_249[0, 0, 0, 0] : f32 from vector<1x1x1x1xf32>
      %div3A_251 = arith.constant 3.174400e+04 : f32
      %div3A_252 = arith.divf %reduce_sum3A_250, %div3A_251 : f32
      %mul3A_253 = arith.mulf %sub3A_235, %sub3A_235 : vector<31x32x32xf32>
      %reduce_sum3A_254 = vector.shape_cast %mul3A_253 : vector<31x32x32xf32> to vector<1x31x32x32xf32>
      %reduce_sum3A_255 = arith.constant dense<0.000000e+00> : vector<1xf32>
      %reduce_sum3A_256 = vector.multi_reduction <add>, %reduce_sum3A_254, %reduce_sum3A_255 [1, 2, 3] : vector<1x31x32x32xf32> to vector<1xf32>
      %reduce_sum3A_257 = vector.shape_cast %reduce_sum3A_256 : vector<1xf32> to vector<1x1x1x1xf32>
      %reduce_sum3A_258 = vector.extract %reduce_sum3A_257[0, 0, 0, 0] : f32 from vector<1x1x1x1xf32>
      %div3A_259 = arith.constant 3.174400e+04 : f32
      %div3A_260 = arith.divf %reduce_sum3A_258, %div3A_259 : f32
      %add3A_261 = arith.addf %div3A_252, %div3A_260 : f32
      %mul3A_262 = arith.mulf %sub3A_239, %sub3A_239 : vector<32x32xf32>
      %reduce_sum3A_263 = vector.shape_cast %mul3A_262 : vector<32x32xf32> to vector<1x32x32xf32>
      %reduce_sum3A_264 = arith.constant dense<0.000000e+00> : vector<1xf32>
      %reduce_sum3A_265 = vector.multi_reduction <add>, %reduce_sum3A_263, %reduce_sum3A_264 [1, 2] : vector<1x32x32xf32> to vector<1xf32>
      %reduce_sum3A_266 = vector.shape_cast %reduce_sum3A_265 : vector<1xf32> to vector<1x1x1xf32>
      %reduce_sum3A_267 = vector.extract %reduce_sum3A_266[0, 0, 0] : f32 from vector<1x1x1xf32>
      %div3A_268 = arith.constant 1.024000e+03 : f32
      %div3A_269 = arith.divf %reduce_sum3A_267, %div3A_268 : f32
      %add3A_270 = arith.addf %add3A_261, %div3A_269 : f32
      %mul3A_271 = arith.mulf %sub3A_244, %sub3A_244 : vector<32x32xf32>
      %reduce_sum3A_272 = vector.shape_cast %mul3A_271 : vector<32x32xf32> to vector<1x32x32xf32>
      %reduce_sum3A_273 = arith.constant dense<0.000000e+00> : vector<1xf32>
      %reduce_sum3A_274 = vector.multi_reduction <add>, %reduce_sum3A_272, %reduce_sum3A_273 [1, 2] : vector<1x32x32xf32> to vector<1xf32>
      %reduce_sum3A_275 = vector.shape_cast %reduce_sum3A_274 : vector<1xf32> to vector<1x1x1xf32>
      %reduce_sum3A_276 = vector.extract %reduce_sum3A_275[0, 0, 0] : f32 from vector<1x1x1xf32>
      %div3A_277 = arith.constant 1.024000e+03 : f32
      %div3A_278 = arith.divf %reduce_sum3A_276, %div3A_277 : f32
      %add3A_279 = arith.addf %add3A_270, %div3A_278 : f32
      %mul3A_280 = arith.constant 3.500000e-01 : f32
      %mul3A_281 = arith.mulf %mul3A_280, %add3A_279 : f32
      %reshape3A_282 = vector.broadcast %mul3A_281 : f32 to vector<1x1xf32>
      %swap3A_283 = arith.constant 0 : index
      %swap3A_284 = arith.constant 0 : index
      %swap3A_285 = vector.load %arg5[%swap3A_283, %swap3A_284] : memref<1x1xf32, #tpu.memory_space<vmem>>, vector<1x1xf32>
      tpu.vector_store %arg5[%swap3A_283, %swap3A_284], %reshape3A_282 {strides = array<i32>} : memref<1x1xf32, #tpu.memory_space<vmem>>, vector<1x1xf32>,
    } else {
    }
    %get3A = arith.constant 0 : index
    %get3A_2 = arith.constant 0 : index
    %get3A_3 = arith.constant 0 : index
    %get3A_4 = vector.load %arg1[%get3A, %get3A_2, %get3A_3] : memref<8x32x1024xf32, #tpu.memory_space<vmem>>, vector<1x32x1024xf32>
    %get3A_5 = vector.shape_cast %get3A_4 : vector<1x32x1024xf32> to vector<32x1024xf32>
    %get3A_6 = arith.constant 1 : index
    %get3A_7 = arith.constant 0 : index
    %get3A_8 = arith.constant 0 : index
    %get3A_9 = vector.load %arg1[%get3A_6, %get3A_7, %get3A_8] : memref<8x32x1024xf32, #tpu.memory_space<vmem>>, vector<1x32x1024xf32>
    %get3A_10 = vector.shape_cast %get3A_9 : vector<1x32x1024xf32> to vector<32x1024xf32>
    %get3A_11 = arith.constant 2 : index
    %get3A_12 = arith.constant 0 : index
    %get3A_13 = arith.constant 0 : index
    %get3A_14 = vector.load %arg1[%get3A_11, %get3A_12, %get3A_13] : memref<8x32x1024xf32, #tpu.memory_space<vmem>>, vector<1x32x1024xf32>
    %get3A_15 = vector.shape_cast %get3A_14 : vector<1x32x1024xf32> to vector<32x1024xf32>
    %get3A_16 = arith.constant 3 : index
    %get3A_17 = arith.constant 0 : index
    %get3A_18 = arith.constant 0 : index
    %get3A_19 = vector.load %arg1[%get3A_16, %get3A_17, %get3A_18] : memref<8x32x1024xf32, #tpu.memory_space<vmem>>, vector<1x32x1024xf32>
    %get3A_20 = vector.shape_cast %get3A_19 : vector<1x32x1024xf32> to vector<32x1024xf32>
    %get3A_21 = arith.constant 4 : index
    %get3A_22 = arith.constant 0 : index
    %get3A_23 = arith.constant 0 : index
    %get3A_24 = vector.load %arg1[%get3A_21, %get3A_22, %get3A_23] : memref<8x32x1024xf32, #tpu.memory_space<vmem>>, vector<1x32x1024xf32>
    %get3A_25 = vector.shape_cast %get3A_24 : vector<1x32x1024xf32> to vector<32x1024xf32>
    %get3A_26 = arith.constant 5 : index
    %get3A_27 = arith.constant 0 : index
    %get3A_28 = arith.constant 0 : index
    %get3A_29 = vector.load %arg1[%get3A_26, %get3A_27, %get3A_28] : memref<8x32x1024xf32, #tpu.memory_space<vmem>>, vector<1x32x1024xf32>
    %get3A_30 = vector.shape_cast %get3A_29 : vector<1x32x1024xf32> to vector<32x1024xf32>
    %get3A_31 = arith.constant 6 : index
    %get3A_32 = arith.constant 0 : index
    %get3A_33 = arith.constant 0 : index
    %get3A_34 = vector.load %arg1[%get3A_31, %get3A_32, %get3A_33] : memref<8x32x1024xf32, #tpu.memory_space<vmem>>, vector<1x32x1024xf32>
    %get3A_35 = vector.shape_cast %get3A_34 : vector<1x32x1024xf32> to vector<32x1024xf32>
    %get3A_36 = arith.constant 7 : index
    %get3A_37 = arith.constant 0 : index
    %get3A_38 = arith.constant 0 : index
    %get3A_39 = vector.load %arg1[%get3A_36, %get3A_37, %get3A_38] : memref<8x32x1024xf32, #tpu.memory_space<vmem>>, vector<1x32x1024xf32>
    %get3A_40 = vector.shape_cast %get3A_39 : vector<1x32x1024xf32> to vector<32x1024xf32>
    %concatenate3A = tpu.concatenate %get3A_5, %get3A_10, %get3A_15, %get3A_20, %get3A_25, %get3A_30, %get3A_35, %get3A_40 in 1 : vector<32x1024xf32>, vector<32x1024xf32>, vector<32x1024xf32>, vector<32x1024xf32>, vector<32x1024xf32>, vector<32x1024xf32>, vector<32x1024xf32>, vector<32x1024xf32> -> vector<32x8192xf32>
    %mul3A = arith.mulf %concatenate3A, %concatenate3A : vector<32x8192xf32>
    %reduce_sum3A = arith.constant dense<0.000000e+00> : vector<8192xf32>
    %reduce_sum3A_41 = vector.multi_reduction <add>, %mul3A, %reduce_sum3A [0] : vector<32x8192xf32> to vector<8192xf32>
    %broadcast_in_dim3A = vector.shape_cast %reduce_sum3A_41 : vector<8192xf32> to vector<1x8192xf32>
    %sqrt3A = math.sqrt %broadcast_in_dim3A : vector<1x8192xf32>
    %max3A = arith.constant 9.99999996E-13 : f32
    %max3A_42 = vector.broadcast %max3A : f32 to vector<1x8192xf32>
    %max3A_43 = arith.maximumf %sqrt3A, %max3A_42 : vector<1x8192xf32>
    %div3A = vector.broadcast %max3A_43 : vector<1x8192xf32> to vector<32x8192xf32>
    %div3A_44 = arith.divf %concatenate3A, %div3A : vector<32x8192xf32>
    %get3A_45 = arith.constant 0 : index
    %get3A_46 = arith.constant 0 : index
    %get3A_47 = vector.load %arg7[%get3A_45, %get3A_46] : memref<1024x32xf32, #tpu.memory_space<vmem>>, vector<1024x32xf32>
    %dot_general3A = arith.constant dense<0.000000e+00> : vector<1024x8192xf32>
    %dot_general3A_48 = tpu.matmul %get3A_47, %div3A_44, %dot_general3A {dimension_numbers = #tpu.dot_dimension_numbers<[1], [0], [0], [1], [0, 0, 1, 1], [], []>, transpose_lhs_hint = false} : vector<1024x32xf32>, vector<32x8192xf32>, vector<1024x8192xf32> -> vector<1024x8192xf32>
    %add3A = arith.constant 2.000000e+00 : f32
    %add3A_49 = vector.broadcast %add3A : f32 to vector<1024x8192xf32>
    %add3A_50 = arith.addf %add3A_49, %dot_general3A_48 : vector<1024x8192xf32>
    %reduce_min3A = arith.constant dense<0x7F800000> : vector<8192xf32>
    %reduce_min3A_51 = vector.multi_reduction <minimumf>, %add3A_50, %reduce_min3A [0] : vector<1024x8192xf32> to vector<8192xf32>
    %broadcast_in_dim3A_52 = vector.shape_cast %reduce_min3A_51 : vector<8192xf32> to vector<1x8192xf32>
    %eq3A_53 = vector.broadcast %broadcast_in_dim3A_52 : vector<1x8192xf32> to vector<1024x8192xf32>
    %eq3A_54 = arith.cmpf oeq, %add3A_50, %eq3A_53 : vector<1024x8192xf32>
    %convert_element_type3A_55 = arith.extui %eq3A_54 : vector<1024x8192xi1> to vector<1024x8192xi32>
    %convert_element_type3A_56 = arith.sitofp %convert_element_type3A_55 : vector<1024x8192xi32> to vector<1024x8192xf32>
    %get3A_57 = arith.constant 0 : index
    %get3A_58 = arith.constant 0 : index
    %get3A_59 = vector.load %arg8[%get3A_57, %get3A_58] : memref<8x1024xf32, #tpu.memory_space<vmem>>, vector<8x1024xf32>
    %dot_general3A_60 = arith.constant dense<0.000000e+00> : vector<8x8192xf32>
    %dot_general3A_61 = tpu.matmul %get3A_59, %convert_element_type3A_56, %dot_general3A_60 {dimension_numbers = #tpu.dot_dimension_numbers<[1], [0], [0], [1], [0, 0, 1, 1], [], []>, transpose_lhs_hint = false} : vector<8x1024xf32>, vector<1024x8192xf32>, vector<8x8192xf32> -> vector<8x8192xf32>
    %slice3A = vector.extract_strided_slice %dot_general3A_61 {offsets = [0, 0], sizes = [1, 8192], strides = [1, 1]} : vector<8x8192xf32> to vector<1x8192xf32>
    %div3A_62 = arith.constant 1.000000e+00 : f32
    %div3A_63 = vector.broadcast %div3A_62 : f32 to vector<1x8192xf32>
    %div3A_64 = arith.divf %div3A_63, %slice3A : vector<1x8192xf32>
    %slice3A_65 = vector.extract_strided_slice %dot_general3A_61 {offsets = [1, 0], sizes = [1, 8192], strides = [1, 1]} : vector<8x8192xf32> to vector<1x8192xf32>
    %mul3A_66 = arith.constant 8.000000e+00 : f32
    %mul3A_67 = vector.broadcast %mul3A_66 : f32 to vector<1x8192xf32>
    %mul3A_68 = arith.mulf %mul3A_67, %slice3A_65 : vector<1x8192xf32>
    %slice3A_69 = vector.extract_strided_slice %dot_general3A_61 {offsets = [2, 0], sizes = [1, 8192], strides = [1, 1]} : vector<8x8192xf32> to vector<1x8192xf32>
    %add3A_70 = arith.addf %mul3A_68, %slice3A_69 : vector<1x8192xf32>
    %mul3A_71 = arith.mulf %add3A_70, %div3A_64 : vector<1x8192xf32>
    %convert_element_type3A_72 = arith.fptosi %mul3A_71 : vector<1x8192xf32> to vector<1x8192xi32>
    %slice3A_73 = vector.extract_strided_slice %convert_element_type3A_72 {offsets = [0, 0], sizes = [1, 1024], strides = [1, 1]} : vector<1x8192xi32> to vector<1x1024xi32>
    %swap3A = arith.constant 0 : index
    %swap3A_74 = arith.constant 0 : index
    %swap3A_75 = arith.constant 0 : index
    %swap3A_76 = vector.load %arg3[%swap3A, %swap3A_74, %swap3A_75] : memref<8x1x1024xi32, #tpu.memory_space<vmem>>, vector<1x1x1024xi32>
    %swap3A_77 = vector.shape_cast %swap3A_76 : vector<1x1x1024xi32> to vector<1x1024xi32>
    %swap3A_78 = vector.shape_cast %slice3A_73 : vector<1x1024xi32> to vector<1x1x1024xi32>
    tpu.vector_store %arg3[%swap3A, %swap3A_74, %swap3A_75], %swap3A_78 {strides = array<i32>} : memref<8x1x1024xi32, #tpu.memory_space<vmem>>, vector<1x1x1024xi32>,
    %slice3A_79 = vector.extract_strided_slice %convert_element_type3A_72 {offsets = [0, 1024], sizes = [1, 1024], strides = [1, 1]} : vector<1x8192xi32> to vector<1x1024xi32>
    %swap3A_80 = arith.constant 1 : index
    %swap3A_81 = arith.constant 0 : index
    %swap3A_82 = arith.constant 0 : index
    %swap3A_83 = vector.load %arg3[%swap3A_80, %swap3A_81, %swap3A_82] : memref<8x1x1024xi32, #tpu.memory_space<vmem>>, vector<1x1x1024xi32>
    %swap3A_84 = vector.shape_cast %swap3A_83 : vector<1x1x1024xi32> to vector<1x1024xi32>
    %swap3A_85 = vector.shape_cast %slice3A_79 : vector<1x1024xi32> to vector<1x1x1024xi32>
    tpu.vector_store %arg3[%swap3A_80, %swap3A_81, %swap3A_82], %swap3A_85 {strides = array<i32>} : memref<8x1x1024xi32, #tpu.memory_space<vmem>>, vector<1x1x1024xi32>,
    %slice3A_86 = vector.extract_strided_slice %convert_element_type3A_72 {offsets = [0, 2048], sizes = [1, 1024], strides = [1, 1]} : vector<1x8192xi32> to vector<1x1024xi32>
    %swap3A_87 = arith.constant 2 : index
    %swap3A_88 = arith.constant 0 : index
    %swap3A_89 = arith.constant 0 : index
    %swap3A_90 = vector.load %arg3[%swap3A_87, %swap3A_88, %swap3A_89] : memref<8x1x1024xi32, #tpu.memory_space<vmem>>, vector<1x1x1024xi32>
    %swap3A_91 = vector.shape_cast %swap3A_90 : vector<1x1x1024xi32> to vector<1x1024xi32>
    %swap3A_92 = vector.shape_cast %slice3A_86 : vector<1x1024xi32> to vector<1x1x1024xi32>
    tpu.vector_store %arg3[%swap3A_87, %swap3A_88, %swap3A_89], %swap3A_92 {strides = array<i32>} : memref<8x1x1024xi32, #tpu.memory_space<vmem>>, vector<1x1x1024xi32>,
    %slice3A_93 = vector.extract_strided_slice %convert_element_type3A_72 {offsets = [0, 3072], sizes = [1, 1024], strides = [1, 1]} : vector<1x8192xi32> to vector<1x1024xi32>
    %swap3A_94 = arith.constant 3 : index
    %swap3A_95 = arith.constant 0 : index
    %swap3A_96 = arith.constant 0 : index
    %swap3A_97 = vector.load %arg3[%swap3A_94, %swap3A_95, %swap3A_96] : memref<8x1x1024xi32, #tpu.memory_space<vmem>>, vector<1x1x1024xi32>
    %swap3A_98 = vector.shape_cast %swap3A_97 : vector<1x1x1024xi32> to vector<1x1024xi32>
    %swap3A_99 = vector.shape_cast %slice3A_93 : vector<1x1024xi32> to vector<1x1x1024xi32>
    tpu.vector_store %arg3[%swap3A_94, %swap3A_95, %swap3A_96], %swap3A_99 {strides = array<i32>} : memref<8x1x1024xi32, #tpu.memory_space<vmem>>, vector<1x1x1024xi32>,
    %slice3A_100 = vector.extract_strided_slice %convert_element_type3A_72 {offsets = [0, 4096], sizes = [1, 1024], strides = [1, 1]} : vector<1x8192xi32> to vector<1x1024xi32>
    %swap3A_101 = arith.constant 4 : index
    %swap3A_102 = arith.constant 0 : index
    %swap3A_103 = arith.constant 0 : index
    %swap3A_104 = vector.load %arg3[%swap3A_101, %swap3A_102, %swap3A_103] : memref<8x1x1024xi32, #tpu.memory_space<vmem>>, vector<1x1x1024xi32>
    %swap3A_105 = vector.shape_cast %swap3A_104 : vector<1x1x1024xi32> to vector<1x1024xi32>
    %swap3A_106 = vector.shape_cast %slice3A_100 : vector<1x1024xi32> to vector<1x1x1024xi32>
    tpu.vector_store %arg3[%swap3A_101, %swap3A_102, %swap3A_103], %swap3A_106 {strides = array<i32>} : memref<8x1x1024xi32, #tpu.memory_space<vmem>>, vector<1x1x1024xi32>,
    %slice3A_107 = vector.extract_strided_slice %convert_element_type3A_72 {offsets = [0, 5120], sizes = [1, 1024], strides = [1, 1]} : vector<1x8192xi32> to vector<1x1024xi32>
    %swap3A_108 = arith.constant 5 : index
    %swap3A_109 = arith.constant 0 : index
    %swap3A_110 = arith.constant 0 : index
    %swap3A_111 = vector.load %arg3[%swap3A_108, %swap3A_109, %swap3A_110] : memref<8x1x1024xi32, #tpu.memory_space<vmem>>, vector<1x1x1024xi32>
    %swap3A_112 = vector.shape_cast %swap3A_111 : vector<1x1x1024xi32> to vector<1x1024xi32>
    %swap3A_113 = vector.shape_cast %slice3A_107 : vector<1x1024xi32> to vector<1x1x1024xi32>
    tpu.vector_store %arg3[%swap3A_108, %swap3A_109, %swap3A_110], %swap3A_113 {strides = array<i32>} : memref<8x1x1024xi32, #tpu.memory_space<vmem>>, vector<1x1x1024xi32>,
    %slice3A_114 = vector.extract_strided_slice %convert_element_type3A_72 {offsets = [0, 6144], sizes = [1, 1024], strides = [1, 1]} : vector<1x8192xi32> to vector<1x1024xi32>
    %swap3A_115 = arith.constant 6 : index
    %swap3A_116 = arith.constant 0 : index
    %swap3A_117 = arith.constant 0 : index
    %swap3A_118 = vector.load %arg3[%swap3A_115, %swap3A_116, %swap3A_117] : memref<8x1x1024xi32, #tpu.memory_space<vmem>>, vector<1x1x1024xi32>
    %swap3A_119 = vector.shape_cast %swap3A_118 : vector<1x1x1024xi32> to vector<1x1024xi32>
    %swap3A_120 = vector.shape_cast %slice3A_114 : vector<1x1024xi32> to vector<1x1x1024xi32>
    tpu.vector_store %arg3[%swap3A_115, %swap3A_116, %swap3A_117], %swap3A_120 {strides = array<i32>} : memref<8x1x1024xi32, #tpu.memory_space<vmem>>, vector<1x1x1024xi32>,
    %slice3A_121 = vector.extract_strided_slice %convert_element_type3A_72 {offsets = [0, 7168], sizes = [1, 1024], strides = [1, 1]} : vector<1x8192xi32> to vector<1x1024xi32>
    %swap3A_122 = arith.constant 7 : index
    %swap3A_123 = arith.constant 0 : index
    %swap3A_124 = arith.constant 0 : index
    %swap3A_125 = vector.load %arg3[%swap3A_122, %swap3A_123, %swap3A_124] : memref<8x1x1024xi32, #tpu.memory_space<vmem>>, vector<1x1x1024xi32>
    %swap3A_126 = vector.shape_cast %swap3A_125 : vector<1x1x1024xi32> to vector<1x1024xi32>
    %swap3A_127 = vector.shape_cast %slice3A_121 : vector<1x1024xi32> to vector<1x1x1024xi32>
    tpu.vector_store %arg3[%swap3A_122, %swap3A_123, %swap3A_124], %swap3A_127 {strides = array<i32>} : memref<8x1x1024xi32, #tpu.memory_space<vmem>>, vector<1x1x1024xi32>,
    %get3A_128 = arith.constant 0 : index
    %get3A_129 = arith.constant 0 : index
    %get3A_130 = vector.load %arg9[%get3A_128, %get3A_129] : memref<1x8192xf32, #tpu.memory_space<vmem>>, vector<1x8192xf32>
    %add3A_131 = arith.addf %get3A_130, %broadcast_in_dim3A_52 : vector<1x8192xf32>
    %swap3A_132 = arith.constant 0 : index
    %swap3A_133 = arith.constant 0 : index
    %swap3A_134 = vector.load %arg9[%swap3A_132, %swap3A_133] : memref<1x8192xf32, #tpu.memory_space<vmem>>, vector<1x8192xf32>
    tpu.vector_store %arg9[%swap3A_132, %swap3A_133], %add3A_131 {strides = array<i32>} : memref<1x8192xf32, #tpu.memory_space<vmem>>, vector<1x8192xf32>,
    %eq3A_135 = arith.constant 7 : i32
    %eq3A_136 = arith.cmpi eq, %arg0, %eq3A_135 : i32
    %convert_element_type3A_137 = arith.extui %eq3A_136 : i1 to i32
    %cond3A_138 = arith.constant 0 : i32
    %cond3A_139 = arith.cmpi ne, %convert_element_type3A_137, %cond3A_138 : i32
    scf.if %cond3A_139 {
      %get3A_140 = arith.constant 0 : index
      %get3A_141 = arith.constant 0 : index
      %get3A_142 = vector.load %arg9[%get3A_140, %get3A_141] : memref<1x8192xf32, #tpu.memory_space<vmem>>, vector<1x8192xf32>
      %reduce_sum3A_143 = vector.shape_cast %get3A_142 : vector<1x8192xf32> to vector<1x1x8192xf32>
      %reduce_sum3A_144 = arith.constant dense<0.000000e+00> : vector<1xf32>
      %reduce_sum3A_145 = vector.multi_reduction <add>, %reduce_sum3A_143, %reduce_sum3A_144 [1, 2] : vector<1x1x8192xf32> to vector<1xf32>
      %reduce_sum3A_146 = vector.shape_cast %reduce_sum3A_145 : vector<1xf32> to vector<1x1x1xf32>
      %reduce_sum3A_147 = vector.extract %reduce_sum3A_146[0, 0, 0] : f32 from vector<1x1x1xf32>
      %mul3A_148 = arith.constant 5.96046448E-7 : f32
      %mul3A_149 = arith.mulf %reduce_sum3A_147, %mul3A_148 : f32
      %reshape3A = vector.broadcast %mul3A_149 : f32 to vector<1x1xf32>
      %swap3A_150 = arith.constant 0 : index
      %swap3A_151 = arith.constant 0 : index
      %swap3A_152 = vector.load %arg4[%swap3A_150, %swap3A_151] : memref<1x1xf32, #tpu.memory_space<vmem>>, vector<1x1xf32>
      tpu.vector_store %arg4[%swap3A_150, %swap3A_151], %reshape3A {strides = array<i32>} : memref<1x1xf32, #tpu.memory_space<vmem>>, vector<1x1xf32>,
    } else {
    }
    return
  }
  func.func @transform_0(%arg0: i32) -> (i32, i32, i32) {
    %c0_i32 = arith.constant 0 : i32
    %c0_i32_0 = arith.constant 0 : i32
    %c0_i32_1 = arith.constant 0 : i32
    return %arg0, %c0_i32, %c0_i32_0 : i32, i32, i32
  }
  func.func @transform_1(%arg0: i32) -> (i32, i32) {
    %c0_i32 = arith.constant 0 : i32
    %c0_i32_0 = arith.constant 0 : i32
    %c0_i32_1 = arith.constant 0 : i32
    return %c0_i32, %c0_i32_0 : i32, i32
  }
  func.func @transform_2(%arg0: i32) -> (i32, i32, i32) {
    %c0_i32 = arith.constant 0 : i32
    %c0_i32_0 = arith.constant 0 : i32
    %c0_i32_1 = arith.constant 0 : i32
    return %arg0, %c0_i32, %c0_i32_0 : i32, i32, i32
  }
  func.func @transform_3(%arg0: i32) -> (i32, i32) {
    %c0_i32 = arith.constant 0 : i32
    %c0_i32_0 = arith.constant 0 : i32
    %c0_i32_1 = arith.constant 0 : i32
    return %c0_i32, %c0_i32_0 : i32, i32
  }
  func.func @transform_4(%arg0: i32) -> (i32, i32) {
    %c0_i32 = arith.constant 0 : i32
    %c0_i32_0 = arith.constant 0 : i32
    %c0_i32_1 = arith.constant 0 : i32
    return %c0_i32, %c0_i32_0 : i32, i32
  }
  func.func @transform_5(%arg0: i32) -> (i32, i32) {
    %c0_i32 = arith.constant 0 : i32
    %c0_i32_0 = arith.constant 0 : i32
    %c0_i32_1 = arith.constant 0 : i32
    return %c0_i32, %c0_i32_0 : i32, i32
  }
}

</mosaic_0001>

<sc_bundles>
// kernel: kernel.4.cloned.1.call-start
scs
__scs_entry_jumppad:
0x0: {  	(pc) =	sbr.rel $0x88, $3  }
0x1: {  	(tag) =	ssettag $0x0;
	lr =	simm.s32 $0x1  }
0x2: {  	[smem:$0x3F9F] =	sst lr;
	_ =	strace $0xD0000000  }
0x3: {  	_ = 	snop  }
0x4: {  	_ = 	snop  }
0x5: {  	_ = 	snop  }
0x6: {  	_ = 	snop  }
0x7: {  	_ = 	snop  }
__scs_overlays_trampoline_lowered:
0x8: {  	[smem:$0x3FAE] =	sst s0  }
0x9: {  	[smem:$0x3FAF] =	sst s1  }
0xa: {  	[smem:$0x3FB0] =	sst s2  }
0xb: {  	[smem:$0x3FB1] =	sst s3  }
0xc: {  	[smem:$0x3FB2] =	sst s4  }
0xd: {  	[smem:$0x3FB3] =	sst s5  }
0xe: {  	[smem:$0x3FB4] =	sst s6  }
0xf: {  	[smem:$0x3FB5] =	sst s7  }
0x10: {  	[smem:$0x3FB6] =	sst s8  }
0x11: {  	[smem:$0x3FB7] =	sst s9;
	s0 =	simm.s32 @!p0 $0x0  }
0x12: {  	s1 =	sld [smem:$0x3F9D];
	s0 =	simm.s32 @p0 $0x1  }
0x13: {  	[smem:$0x3FB8] =	sst s0;
	s0 =	simm.s32 @!p1 $0x0  }
0x14: {  	s2 =	sld [smem:$0x3F9C];
	s0 =	simm.s32 @p1 $0x1  }
0x15: {  	[smem:$0x3FB9] =	sst s0;
	s0 =	simm.s32 @!p2 $0x0  }
0x16: {  	s3 =	sld [smem:$0x3FDB];
	s0 =	simm.s32 @p2 $0x1  }
0x17: {  	s4 =	simm.s32 $0x1BF5;
	[smem:$0x3FBB] =	sst s0  }
0x18: {  	s0 =	sld [smem:$0x3F9E];
	_ =	swait.ge [sflag:s4], $0x0  }
0x19: {  	s7 =	sld [smem:$0x3F9F]  }
0x1a: {  	s8 =	sadd.s32 $0xFFFFE003, lr  }
0x1b: {  	s9 =	sadd.s32 $0xFFFFFEF7, lr;
	s5 =	simm.s32 $0xFFFFFFFF;
	p2 =	slt.u32 s8, $0xFFFFF086  }
0x1c: {  	p1 =	slt.u32 s9, $0xF7A;
	s5 =	simm.s32 @!p2 $0x0  }
0x1d: {  	s5 =	simm.s32 @p1 $0x1;
	p0 =	seq.s32 s7, s2  }
0x1e: {  	s7 =	smul.u32 @!p0 $0xF7A, s2;
	p2 =	seq.s32 @!p0 s5, $0x0  }
0x1f: {  	s9 =	smul.u32 $0xF7A, s1;
	s8 =	simm.s32 @!p0 $0x1BF5;
	p2 =	por !p2, p0  }
0x20: {  	[sflag:s8] =	ssyncset.s32 @!p0 $0xFFFFF086;
	s6 =	sadd.s32 @!p0 s3, s7;
	s7 =	simm.s32 @!p0 $0x108  }
0x21: {  	s3 =	sadd.s32 s3, s9;
	s6 =	sadd.s32 @!p0 $0x88, s6;
	s7 =	simm.s32 @p2 $0x1082  }
0x22: {  	[simem:s7], [sflag:s8] =	dma.local @!p0 [hbm:s6], $0xF7A  }
0x23: {  	s9 =	sor.u32 $0xD0000000, s2;
	s6 =	simm.s32 $0x108;
	_ =	swait.ge @!p0 [sflag:s8], $0x0  }
0x24: {  	s3 =	sadd.s32 $0x88, s3;
	s6 =	simm.s32 @!p1 $0x1082;
	[sflag:s4] =	ssyncset.s32 $0xFFFFF086  }
0x25: {  	[simem:s6], [sflag:s4] =	dma.local [hbm:s3], $0xF7A  }
0x26: {  	[smem:$0x3F9F] =	sst s1;
	(tag) =	ssettag s2;
	_ =	strace s9  }
0x27: {  	s1 =	sld [smem:$0x3FAF]  }
0x28: {  	s2 =	sld [smem:$0x3FB0]  }
0x29: {  	s4 =	sld [smem:$0x3FB2]  }
0x2a: {  	p0 =	seq.s32 s5, $0x0;
	s5 =	sld [smem:$0x3FB3]  }
0x2b: {  	s6 =	sld [smem:$0x3FB4]  }
0x2c: {  	s7 =	sld [smem:$0x3FB5]  }
0x2d: {  	s3 =	simm.s32 $0x108;
	s8 =	sld [smem:$0x3FB6]  }
0x2e: {  	s3 =	simm.s32 @!p0 $0x1082;
	s9 =	sld [smem:$0x3FB7]  }
0x2f: {  	lr =	sadd.s32 s0, s3;
	s0 =	sld [smem:$0x3FAE]  }
0x30: {  	s3 =	sld [smem:$0x3FB1]  }
0x31: {  	[smem:$0x3FBA] =	sst s10  }
0x32: {  	s10 =	sld [smem:$0x3FB8];
	_ =	sdelay $0x3  }
0x33: {  	p0 =	seq.s32 s10, $0x1;
	s10 =	sld [smem:$0x3FBA];
	_ =	sdelay $0x3  }
0x34: {  	[smem:$0x3FBA] =	sst s10  }
0x35: {  	s10 =	sld [smem:$0x3FB9];
	_ =	sdelay $0x3  }
0x36: {  	p1 =	seq.s32 s10, $0x1;
	s10 =	sld [smem:$0x3FBA];
	_ =	sdelay $0x3  }
0x37: {  	[smem:$0x3FBA] =	sst s10  }
0x38: {  	s10 =	sld [smem:$0x3FBB]  }
0x39: {  	_ = 	snop;
	(pc) =	sbr.ind lr, $3  }
0x3a: {  	_ = 	snop  }
0x3b: {  	_ = 	snop  }
0x3c: {  	p2 =	seq.s32 s10, $0x1;
	s10 =	sld [smem:$0x3FBA]  }
0x3d: {  	_ =	shalt  }
0x3e: {  	_ =	shalt  }
0x3f: {  	_ =	shalt  }
0x40: {  	_ =	shalt  }
0x41: {  	_ =	shalt  }
0x42: {  	_ =	shalt  }
0x43: {  	_ =	shalt  }
0x44: {  	_ =	shalt  }
0x45: {  	_ =	shalt  }
0x46: {  	_ =	shalt  }
0x47: {  	_ =	shalt  }
0x48: {  	_ =	shalt  }
0x49: {  	_ =	shalt  }
0x4a: {  	_ =	shalt  }
0x4b: {  	_ =	shalt  }
0x4c: {  	_ =	shalt  }
0x4d: {  	_ =	shalt  }
0x4e: {  	_ =	shalt  }
0x4f: {  	_ =	shalt  }
0x50: {  	_ =	shalt  }
0x51: {  	_ =	shalt  }
0x52: {  	_ =	shalt  }
0x53: {  	_ =	shalt  }
0x54: {  	_ =	shalt  }
0x55: {  	_ =	shalt  }
0x56: {  	_ =	shalt  }
0x57: {  	_ =	shalt  }
0x58: {  	_ =	shalt  }
0x59: {  	_ =	shalt  }
0x5a: {  	_ =	shalt  }
0x5b: {  	_ =	shalt  }
0x5c: {  	_ =	shalt  }
0x5d: {  	_ =	shalt  }
0x5e: {  	_ =	shalt  }
0x5f: {  	_ =	shalt  }
0x60: {  	_ =	shalt  }
0x61: {  	_ =	shalt  }
0x62: {  	_ =	shalt  }
0x63: {  	_ =	shalt  }
0x64: {  	_ =	shalt  }
0x65: {  	_ =	shalt  }
0x66: {  	_ =	shalt  }
0x67: {  	_ =	shalt  }
0x68: {  	_ =	shalt  }
0x69: {  	_ =	shalt  }
0x6a: {  	_ =	shalt  }
0x6b: {  	_ =	shalt  }
0x6c: {  	_ =	shalt  }
0x6d: {  	_ =	shalt  }
0x6e: {  	_ =	shalt  }
0x6f: {  	_ =	shalt  }
0x70: {  	_ =	shalt  }
0x71: {  	_ =	shalt  }
0x72: {  	_ =	shalt  }
0x73: {  	_ =	shalt  }
0x74: {  	_ =	shalt  }
0x75: {  	_ =	shalt  }
0x76: {  	_ =	shalt  }
0x77: {  	_ =	shalt  }
0x78: {  	_ =	shalt  }
0x79: {  	_ =	shalt  }
0x7a: {  	_ =	shalt  }
0x7b: {  	_ =	shalt  }
0x7c: {  	_ =	shalt  }
0x7d: {  	_ =	shalt  }
0x7e: {  	_ =	shalt  }
0x7f: {  	_ =	shalt  }
0x80: {  	_ =	shalt  }
0x81: {  	_ =	shalt  }
0x82: {  	_ =	shalt  }
0x83: {  	_ =	shalt  }
0x84: {  	_ =	shalt  }
0x85: {  	_ =	shalt  }
0x86: {  	_ =	shalt  }
0x87: {  	_ =	shalt  }
.Lfunc_end0:
.L_simem_size_0:
called_computation_lowered:
.L_overlay_start_0:
0x88: {  	s2 =	sld [smem:$0x3FD9]  }
0x89: {  	s3 =	sld [smem:$0x3FFE];
	_ =	sdelay $0x1  }
0x8a: {  	s1 =	srdreg.scid  }
0x8b: {  	s0 =	sand.u32 $0x1, s1  }
0x8c: {  	s14 =	sshll.u32 s0, $0xA;
	s2 =	sadd.s32 s3, s2  }
0x8d: {  	s2 =	sadd.s32 s2, s14  }
0x8e: {  	[smem:$0x3FC6] =	sst s2  }
0x8f: {  	_ = 	snop  }
0x90: {  	s2 =	sld [smem:$0x3FD0];
	_ =	sdelay $0x2  }
0x91: {  	s15 =	simm.s32 $0xA;
	s4 =	simm.s32 $0x10  }
0x92: {  	[smem:s4], [sflag:s15] =	dma.local [hbm:s2], $0x1  }
0x93: {  	_ =	swait.eq [sflag:s15], $0x1  }
0x94: {  	[sflag:s15] =	ssyncset.done $0x0  }
0x95: {  	[sflag:s15] =	ssyncadd.s32 $0xFFFFFFFF  }
0x96: {  	s16 =	sld [smem:$0x10];
	(tm) =	ssettm $0x1  }
0x97: {  	s17 =	sld [smem:$0x3FFB];
	_ =	sdelay $0x3  }
0x98: {  	_ =	strace s17  }
0x99: {  	s3 =	sld [smem:$0x3FFC];
	_ =	sdelay $0x3  }
0x9a: {  	_ =	strace s3  }
0x9b: {  	s3 =	sld [smem:$0x3FFD];
	_ =	sdelay $0x3  }
0x9c: {  	_ =	strace s3  }
0x9d: {  	_ =	strace $0x8FFFFFFF  }
0x9e: {  	s18 =	sld [smem:$0x3FDB];
	_ =	sdelay $0x1  }
0x9f: {  	s19 =	simm.s32 $_scs_section_size  }
0xa0: {  	s5 =	simm.s32 $_size__tile_overlayer_lowered;
	s6 =	simm.s32 $_tile_overlayer_lowered  }
0xa1: {  	s22 =	simm.s32 $0x1BFF;
	s21 =	sshll.u32 s6, $0x1;
	s3 =	sadd.s32 s19, s18  }
0xa2: {  	s7 =	simm.s32 $0x0;
	s20 =	sshll.u32 s5, $0x1;
	s5 =	sadd.s32 s21, s3  }
0xa3: {  	[timem:s7], [sflag:s22] =	dma.local [hbm:s5], s20  }
0xa4: {  	_ =	swait.ge [sflag:s22], s20  }
0xa5: {  	s4 =	ssub.s32 $0x0, s20;
	[sflag:s22] =	ssyncset.done $0x0  }
0xa6: {  	[sflag:s22] =	ssyncadd.s32 s4;
	_ =	sdelay $0x1  }
0xa7: {  	s23 =	simm.s32 $0x1B8B  }
0xa8: {  	_ =	swait.ge [sflag:s23], $0x1  }
0xa9: {  	[sflag:s23] =	ssyncset.done $0x0  }
0xaa: {  	s25 =	simm.s32 $0x1B8E;
	s24 =	sld [smem:$0x3FFE];
	[sflag:s23] =	ssyncadd.s32 $0xFFFFFFFF  }
0xab: {  	s26 =	simm.s32 $execute0_lowered;
	[smem:$0x3FD2] =	sst s25  }
0xac: {  	s5 =	sshll.u32 s26, $0x1;
	_ =	strace $0x80000046;
	[dreg:$0x1] =	wrdreg $0xFFFFFFFF  }
0xad: {  	s28 =	simm.s32 $_size_execute0_lowered;
	s3 =	sadd.s32 s3, s5;
	[dreg:$0x0] =	wrdreg $0x0  }
0xae: {  	s5 =	sshll.u32 s28, $0x1;
	[dreg:$0x2] =	wrdreg s3  }
0xaf: {  	[dreg:$0x3] =	wrdreg s5  }
0xb0: {  	[dreg:$0x4] =	wrdreg $0xC0  }
0xb1: {  	_ =	task [dreg:s7], $0x5FFFF  }
0xb2: {  	[dreg:$0x1] =	wrdreg $0xFFFFFFFF  }
0xb3: {  	[dreg:$0x0] =	wrdreg $0x60  }
0xb4: {  	[dreg:$0x2] =	wrdreg s24  }
0xb5: {  	[dreg:$0x3] =	wrdreg s16  }
0xb6: {  	[dreg:$0x4] =	wrdreg $0x9  }
0xb7: {  	_ =	task.clear_ibuf [dreg:s7], $0x5FFFF;
	_ =	strace $0x90000046  }
0xb8: {  	s29 =	simm.s32 $0x9;
	_ =	strace $0x80000048  }
0xb9: {  	_ =	swait.ge [sflag:s29], $0x1  }
0xba: {  	[sflag:s29] =	ssyncadd.s32 $0xFFFFFFFF  }
0xbb: {  	_ =	strace $0x90000048  }
0xbc: {  	_ =	sfence  }
0xbd: {  	s30 =	sld [smem:$0x0];
	_ =	sdelay $0x2  }
0xbe: {  	s31 =	sshll.u32 s1, $0xD;
	s1 =	sshrl.u32 s1, $0x2  }
0xbf: {  	s3 =	sand.u32 $0x4000, s31;
	s1 =	sadd.s32 s1, s30  }
0xc0: {  	s0 =	sor.u32 s3, s0;
	s1 =	sshll.u32 s1, $0x11  }
0xc1: {  	s0 =	sor.u32 s1, s0  }
0xc2: {  	s0 =	sadd.s32 $0x8F2B, s0  }
0xc3: {  	[sflag:s0] =	ssyncadd.remote.s32 $0x1  }
0xc4: {  	_ =	sfence.sel $0xFFFF  }
0xc5: {  	[dreg:$0x0] =	wrdreg $0xFFFFFFFF;
	(pc) =	sbr.abs _section_cstart, $3  }
0xc6: {  	[dreg:$0x1] =	wrdreg $0xFFFFFFFF  }
0xc7: {  	_ =	task.clear_ibuf [dreg:s7], $0x2FFFF;
	_ =	strace $0x9FFFFFFF  }
0xc8: {  	(tm) =	ssettm $0x7FFFFFFF  }
0xc9: {  	_ =	shalt  }
tec
execute0_lowered:
.L_overlay_start_1:
0x0: {  	(tag) =	ssettag $0x1  }
0x1: {  	s4 =	rddreg [dreg:$0x0]  }
0x2: {  	s6 =	rddreg [dreg:$0x1]  }
0x3: {  	s0 =	rddreg [dreg:$0x2]  }
0x4: {  	s3 =	srdreg.scid;
	s2 =	simm.s32 $0x0;
	s1 =	stileid.u32  }
0x5: {  	s13 =	simm.s32 $0x0;
	s5 =	sand.u32 $0x1, s3;
	[smem:$0x7FF] =	sst s2  }
0x6: {  	s26 =	sshll.u32 s1, $0x2;
	s3 =	sadd.s32 $0x800, s4;
	s8 =	sshll.u32 s1, $0xC  }
0x7: {  	s10 =	sadd.s32 $0x1800, s4;
	s7 =	sshll.u32 s5, $0x1;
	s5 =	ssub.s32 $0x2, s5  }
0x8: {  	_ =	strace $0x80000047;
	s7 =	sor.u32 s7, s26;
	s12 =	sshrl.u32 s5, $0x1  }
0x9: {  	s9 =	sshll.u32 s7, $0x7;
	s29 =	sor.u32 $0x1, s7;
	s30 =	ssub.s32 s5, s12  }
0xa: {  	s7 =	sshll.u32 s7, $0xC;
	s12 =	simm.s32 $0x8400;
	s28 =	sor.u32 s8, s9  }
0xb: {  	s11 =	sshll.u32 s29, $0x7;
	s9 =	sshll.u32 s29, $0xC;
	s5 =	sadd.s32 s10, s7  }
0xc: {  	s4 =	sand.u32 $0xE300, s28;
	s8 =	sor.u32 s8, s11;
	s7 =	sadd.s32 s10, s9  }
0xd: {  	s9 =	simm.s32 $0x1;
	s10 =	simm.s32 $0x80;
	s31 =	sand.u32 $0xE380, s8  }
0xe: {  	s11 =	simm.s32 $0x400;
	s4 =	sshrl.u32 s4, $0x3;
	s8 =	sshrl.u32 s31, $0x3  }
0xf: {  	s4 =	sadd.s32 s6, s4;
	s6 =	sadd.s32 s6, s8;
	s8 =	smax.u32 s30, $0x1  }
.LBB2_1:
0x10: {  	[tilespmem:s2], [sflag:$0x1] =	stream.linear.gather [hbm4b:s3+s2], $0x8000, $0x38;
	[tilespmem:$0x10400] =	vst v63  }
0x11: {  	_ =	swait.ge [sflag:s9], $0x8000  }
0x12: {  	[sflag:s9] =	ssyncset.done $0x0  }
0x13: {  	s14 =	simm.s32 $0x8000;
	[sflag:s9] =	ssyncadd.s32 $0xFFFF8000  }
0x14: {  	[tilespmem:s14], [sflag:$0x1] =	stream.strided.gather [hbm4b:s4+s10], $0x400, s11, s10, $0x38;
	[tilespmem:$0x10400] =	vst v63  }
0x15: {  	_ =	swait.ge [sflag:s9], $0x400  }
0x16: {  	[sflag:s9] =	ssyncset.done $0x0  }
0x17: {  	[sflag:s9] =	ssyncadd.s32 $0xFFFFFC00  }
0x18: {  	v0 =	vld [tilespmem:s14+$0x0];
	_ =	sdelay $0x4  }
0x19: {  	v0 =	vshll.u32 v0, $0x5;
	_ =	sdelay $0x4  }
0x1a: {  	v1 =	vld.idx.msk [tilespmem:v0+s2+$0x0], $0xffff  }
0x1b: {  	v2 =	vor.u32 $0x1, v0;
	_ =	sdelay $0x1  }
0x1c: {  	s15 =	sand.u32 $0x70, s2;
	s16 =	sand.u32 $0x1C00, s2  }
0x1d: {  	s15 =	sor.u32 s15, s16  }
0x1e: {  	[tilespmem:s15+$0x8400] =	vst v1  }
0x1f: {  	v1 =	vld.idx.msk [tilespmem:v2+s2+$0x0], $0xffff  }
0x20: {  	v2 =	vor.u32 $0x2, v0;
	_ =	sdelay $0x3  }
0x21: {  	[tilespmem:s15+$0x8480] =	vst v1  }
0x22: {  	v1 =	vld.idx.msk [tilespmem:v2+s2+$0x0], $0xffff  }
0x23: {  	v2 =	vor.u32 $0x3, v0;
	_ =	sdelay $0x3  }
0x24: {  	[tilespmem:s15+$0x8500] =	vst v1  }
0x25: {  	v1 =	vld.idx.msk [tilespmem:v2+s2+$0x0], $0xffff  }
0x26: {  	v2 =	vor.u32 $0x4, v0;
	_ =	sdelay $0x3  }
0x27: {  	[tilespmem:s15+$0x8580] =	vst v1  }
0x28: {  	v1 =	vld.idx.msk [tilespmem:v2+s2+$0x0], $0xffff  }
0x29: {  	v2 =	vor.u32 $0x5, v0;
	_ =	sdelay $0x3  }
0x2a: {  	[tilespmem:s15+$0x8600] =	vst v1  }
0x2b: {  	v1 =	vld.idx.msk [tilespmem:v2+s2+$0x0], $0xffff  }
0x2c: {  	v2 =	vor.u32 $0x6, v0;
	_ =	sdelay $0x3  }
0x2d: {  	[tilespmem:s15+$0x8680] =	vst v1  }
0x2e: {  	v1 =	vld.idx.msk [tilespmem:v2+s2+$0x0], $0xffff  }
0x2f: {  	v2 =	vor.u32 $0x7, v0;
	_ =	sdelay $0x3  }
0x30: {  	[tilespmem:s15+$0x8700] =	vst v1  }
0x31: {  	v1 =	vld.idx.msk [tilespmem:v2+s2+$0x0], $0xffff  }
0x32: {  	v2 =	vor.u32 $0x8, v0;
	_ =	sdelay $0x1  }
0x33: {  	s31 =	sor.u32 s2, s2  }
0x34: {  	s16 =	sor.u32 $0x380, s31  }
0x35: {  	[tilespmem:s16+$0x8400] =	vst v1  }
0x36: {  	v1 =	vld.idx.msk [tilespmem:v2+s2+$0x0], $0xffff  }
0x37: {  	v2 =	vor.u32 $0x9, v0;
	_ =	sdelay $0x3  }
0x38: {  	[tilespmem:s15+$0xA400] =	vst v1  }
0x39: {  	v1 =	vld.idx.msk [tilespmem:v2+s2+$0x0], $0xffff  }
0x3a: {  	v2 =	vor.u32 $0xA, v0;
	_ =	sdelay $0x3  }
0x3b: {  	[tilespmem:s15+$0xA480] =	vst v1  }
0x3c: {  	v1 =	vld.idx.msk [tilespmem:v2+s2+$0x0], $0xffff  }
0x3d: {  	v2 =	vor.u32 $0xB, v0;
	_ =	sdelay $0x3  }
0x3e: {  	[tilespmem:s15+$0xA500] =	vst v1  }
0x3f: {  	v1 =	vld.idx.msk [tilespmem:v2+s2+$0x0], $0xffff  }
0x40: {  	v2 =	vor.u32 $0xC, v0;
	_ =	sdelay $0x3  }
0x41: {  	[tilespmem:s15+$0xA580] =	vst v1  }
0x42: {  	v1 =	vld.idx.msk [tilespmem:v2+s2+$0x0], $0xffff  }
0x43: {  	v2 =	vor.u32 $0xD, v0;
	_ =	sdelay $0x3  }
0x44: {  	[tilespmem:s15+$0xA600] =	vst v1  }
0x45: {  	v1 =	vld.idx.msk [tilespmem:v2+s2+$0x0], $0xffff  }
0x46: {  	v2 =	vor.u32 $0xE, v0;
	_ =	sdelay $0x3  }
0x47: {  	[tilespmem:s15+$0xA680] =	vst v1  }
0x48: {  	v1 =	vld.idx.msk [tilespmem:v2+s2+$0x0], $0xffff  }
0x49: {  	v2 =	vor.u32 $0xF, v0;
	_ =	sdelay $0x3  }
0x4a: {  	[tilespmem:s15+$0xA700] =	vst v1  }
0x4b: {  	v1 =	vld.idx.msk [tilespmem:v2+s2+$0x0], $0xffff  }
0x4c: {  	v2 =	vor.u32 $0x10, v0;
	_ =	sdelay $0x3  }
0x4d: {  	[tilespmem:s15+$0xA780] =	vst v1  }
0x4e: {  	v1 =	vld.idx.msk [tilespmem:v2+s2+$0x0], $0xffff  }
0x4f: {  	v2 =	vor.u32 $0x11, v0;
	_ =	sdelay $0x3  }
0x50: {  	[tilespmem:s15+$0xC400] =	vst v1  }
0x51: {  	v1 =	vld.idx.msk [tilespmem:v2+s2+$0x0], $0xffff  }
0x52: {  	v2 =	vor.u32 $0x12, v0;
	_ =	sdelay $0x3  }
0x53: {  	[tilespmem:s15+$0xC480] =	vst v1  }
0x54: {  	v1 =	vld.idx.msk [tilespmem:v2+s2+$0x0], $0xffff  }
0x55: {  	v2 =	vor.u32 $0x13, v0;
	_ =	sdelay $0x3  }
0x56: {  	[tilespmem:s15+$0xC500] =	vst v1  }
0x57: {  	v1 =	vld.idx.msk [tilespmem:v2+s2+$0x0], $0xffff  }
0x58: {  	v2 =	vor.u32 $0x14, v0;
	_ =	sdelay $0x3  }
0x59: {  	[tilespmem:s15+$0xC580] =	vst v1  }
0x5a: {  	v1 =	vld.idx.msk [tilespmem:v2+s2+$0x0], $0xffff  }
0x5b: {  	v2 =	vor.u32 $0x15, v0;
	_ =	sdelay $0x3  }
0x5c: {  	[tilespmem:s15+$0xC600] =	vst v1  }
0x5d: {  	v1 =	vld.idx.msk [tilespmem:v2+s2+$0x0], $0xffff  }
0x5e: {  	v2 =	vor.u32 $0x16, v0;
	_ =	sdelay $0x3  }
0x5f: {  	[tilespmem:s15+$0xC680] =	vst v1  }
0x60: {  	v1 =	vld.idx.msk [tilespmem:v2+s2+$0x0], $0xffff  }
0x61: {  	v2 =	vor.u32 $0x17, v0;
	_ =	sdelay $0x3  }
0x62: {  	[tilespmem:s15+$0xC700] =	vst v1  }
0x63: {  	v1 =	vld.idx.msk [tilespmem:v2+s2+$0x0], $0xffff  }
0x64: {  	v2 =	vor.u32 $0x18, v0;
	_ =	sdelay $0x3  }
0x65: {  	[tilespmem:s15+$0xC780] =	vst v1  }
0x66: {  	v1 =	vld.idx.msk [tilespmem:v2+s2+$0x0], $0xffff  }
0x67: {  	v2 =	vor.u32 $0x19, v0;
	_ =	sdelay $0x3  }
0x68: {  	[tilespmem:s15+$0xE400] =	vst v1  }
0x69: {  	v1 =	vld.idx.msk [tilespmem:v2+s2+$0x0], $0xffff  }
0x6a: {  	v2 =	vor.u32 $0x1A, v0;
	_ =	sdelay $0x3  }
0x6b: {  	[tilespmem:s15+$0xE480] =	vst v1  }
0x6c: {  	v1 =	vld.idx.msk [tilespmem:v2+s2+$0x0], $0xffff  }
0x6d: {  	v2 =	vor.u32 $0x1B, v0;
	_ =	sdelay $0x3  }
0x6e: {  	[tilespmem:s15+$0xE500] =	vst v1  }
0x6f: {  	v1 =	vld.idx.msk [tilespmem:v2+s2+$0x0], $0xffff  }
0x70: {  	v2 =	vor.u32 $0x1C, v0;
	_ =	sdelay $0x3  }
0x71: {  	[tilespmem:s15+$0xE580] =	vst v1  }
0x72: {  	v1 =	vld.idx.msk [tilespmem:v2+s2+$0x0], $0xffff  }
0x73: {  	v2 =	vor.u32 $0x1D, v0;
	_ =	sdelay $0x3  }
0x74: {  	[tilespmem:s15+$0xE600] =	vst v1  }
0x75: {  	v1 =	vld.idx.msk [tilespmem:v2+s2+$0x0], $0xffff  }
0x76: {  	v2 =	vor.u32 $0x1E, v0;
	_ =	sdelay $0x3  }
0x77: {  	[tilespmem:s15+$0xE680] =	vst v1  }
0x78: {  	v1 =	vld.idx.msk [tilespmem:v2+s2+$0x0], $0xffff  }
0x79: {  	v0 =	vor.u32 $0x1F, v0;
	_ =	sdelay $0x3  }
0x7a: {  	[tilespmem:s15+$0xE700] =	vst v1  }
0x7b: {  	s17 =	simm.s32 $0x0;
	s16 =	simm.s32 $0x10;
	v0 =	vld.idx.msk [tilespmem:v0+s2+$0x0], $0xffff  }
.LBB2_2:
0x7c: {  	_ =	sdelay $0x3  }
0x7d: {  	p0 =	sne.s32 s16, $0x3F0;
	s17 =	sadd.s32 $0x80, s17;
	s14 =	sadd.s32 $0x10, s14;
	[tilespmem:s15+$0xE780] =	vst v0  }
0x7e: {  	s18 =	smov.u32 s16;
	s16 =	sadd.s32 $0x10, s16;
	v0 =	vld [tilespmem:s14+$0x0];
	_ =	sdelay $0x4  }
0x7f: {  	v0 =	vshll.u32 v0, $0x5;
	_ =	sdelay $0x4  }
0x80: {  	v1 =	vld.idx.msk [tilespmem:v0+s2+$0x0], $0xffff;
	_ =	sdelay $0x1  }
0x81: {  	v2 =	vor.u32 $0x1, v0;
	_ =	sdelay $0x1  }
0x82: {  	s19 =	sand.u32 $0x1C00, s17;
	s15 =	sand.u32 $0x70, s18  }
0x83: {  	s15 =	sor.u32 s15, s19  }
0x84: {  	[tilespmem:s15+$0x8400] =	vst v1  }
0x85: {  	v1 =	vld.idx.msk [tilespmem:v2+s2+$0x0], $0xffff;
	_ =	sdelay $0x1  }
0x86: {  	v2 =	vor.u32 $0x2, v0;
	_ =	sdelay $0x3  }
0x87: {  	[tilespmem:s15+$0x8480] =	vst v1  }
0x88: {  	v1 =	vld.idx.msk [tilespmem:v2+s2+$0x0], $0xffff;
	_ =	sdelay $0x1  }
0x89: {  	v2 =	vor.u32 $0x3, v0;
	_ =	sdelay $0x3  }
0x8a: {  	[tilespmem:s15+$0x8500] =	vst v1  }
0x8b: {  	v1 =	vld.idx.msk [tilespmem:v2+s2+$0x0], $0xffff;
	_ =	sdelay $0x1  }
0x8c: {  	v2 =	vor.u32 $0x4, v0;
	_ =	sdelay $0x3  }
0x8d: {  	[tilespmem:s15+$0x8580] =	vst v1  }
0x8e: {  	v1 =	vld.idx.msk [tilespmem:v2+s2+$0x0], $0xffff;
	_ =	sdelay $0x1  }
0x8f: {  	v2 =	vor.u32 $0x5, v0;
	_ =	sdelay $0x3  }
0x90: {  	[tilespmem:s15+$0x8600] =	vst v1  }
0x91: {  	v1 =	vld.idx.msk [tilespmem:v2+s2+$0x0], $0xffff;
	_ =	sdelay $0x1  }
0x92: {  	v2 =	vor.u32 $0x6, v0;
	_ =	sdelay $0x3  }
0x93: {  	[tilespmem:s15+$0x8680] =	vst v1  }
0x94: {  	v1 =	vld.idx.msk [tilespmem:v2+s2+$0x0], $0xffff;
	_ =	sdelay $0x1  }
0x95: {  	v2 =	vor.u32 $0x7, v0;
	_ =	sdelay $0x3  }
0x96: {  	[tilespmem:s15+$0x8700] =	vst v1  }
0x97: {  	v1 =	vld.idx.msk [tilespmem:v2+s2+$0x0], $0xffff;
	_ =	sdelay $0x1  }
0x98: {  	v2 =	vor.u32 $0x8, v0;
	_ =	sdelay $0x1  }
0x99: {  	s18 =	sor.u32 s17, s18  }
0x9a: {  	s18 =	sor.u32 $0x380, s18  }
0x9b: {  	[tilespmem:s18+$0x8400] =	vst v1  }
0x9c: {  	v1 =	vld.idx.msk [tilespmem:v2+s2+$0x0], $0xffff;
	_ =	sdelay $0x1  }
0x9d: {  	v2 =	vor.u32 $0x9, v0;
	_ =	sdelay $0x3  }
0x9e: {  	[tilespmem:s15+$0xA400] =	vst v1  }
0x9f: {  	v1 =	vld.idx.msk [tilespmem:v2+s2+$0x0], $0xffff;
	_ =	sdelay $0x1  }
0xa0: {  	v2 =	vor.u32 $0xA, v0;
	_ =	sdelay $0x3  }
0xa1: {  	[tilespmem:s15+$0xA480] =	vst v1  }
0xa2: {  	v1 =	vld.idx.msk [tilespmem:v2+s2+$0x0], $0xffff;
	_ =	sdelay $0x1  }
0xa3: {  	v2 =	vor.u32 $0xB, v0;
	_ =	sdelay $0x3  }
0xa4: {  	[tilespmem:s15+$0xA500] =	vst v1  }
0xa5: {  	v1 =	vld.idx.msk [tilespmem:v2+s2+$0x0], $0xffff;
	_ =	sdelay $0x1  }
0xa6: {  	v2 =	vor.u32 $0xC, v0;
	_ =	sdelay $0x3  }
0xa7: {  	[tilespmem:s15+$0xA580] =	vst v1  }
0xa8: {  	v1 =	vld.idx.msk [tilespmem:v2+s2+$0x0], $0xffff;
	_ =	sdelay $0x1  }
0xa9: {  	v2 =	vor.u32 $0xD, v0;
	_ =	sdelay $0x3  }
0xaa: {  	[tilespmem:s15+$0xA600] =	vst v1  }
0xab: {  	v1 =	vld.idx.msk [tilespmem:v2+s2+$0x0], $0xffff;
	_ =	sdelay $0x1  }
0xac: {  	v2 =	vor.u32 $0xE, v0;
	_ =	sdelay $0x3  }
0xad: {  	[tilespmem:s15+$0xA680] =	vst v1  }
0xae: {  	v1 =	vld.idx.msk [tilespmem:v2+s2+$0x0], $0xffff;
	_ =	sdelay $0x1  }
0xaf: {  	v2 =	vor.u32 $0xF, v0;
	_ =	sdelay $0x3  }
0xb0: {  	[tilespmem:s15+$0xA700] =	vst v1  }
0xb1: {  	v1 =	vld.idx.msk [tilespmem:v2+s2+$0x0], $0xffff;
	_ =	sdelay $0x1  }
0xb2: {  	v2 =	vor.u32 $0x10, v0;
	_ =	sdelay $0x3  }
0xb3: {  	[tilespmem:s15+$0xA780] =	vst v1  }
0xb4: {  	v1 =	vld.idx.msk [tilespmem:v2+s2+$0x0], $0xffff;
	_ =	sdelay $0x1  }
0xb5: {  	v2 =	vor.u32 $0x11, v0;
	_ =	sdelay $0x3  }
0xb6: {  	[tilespmem:s15+$0xC400] =	vst v1  }
0xb7: {  	v1 =	vld.idx.msk [tilespmem:v2+s2+$0x0], $0xffff;
	_ =	sdelay $0x1  }
0xb8: {  	v2 =	vor.u32 $0x12, v0;
	_ =	sdelay $0x3  }
0xb9: {  	[tilespmem:s15+$0xC480] =	vst v1  }
0xba: {  	v1 =	vld.idx.msk [tilespmem:v2+s2+$0x0], $0xffff;
	_ =	sdelay $0x1  }
0xbb: {  	v2 =	vor.u32 $0x13, v0;
	_ =	sdelay $0x3  }
0xbc: {  	[tilespmem:s15+$0xC500] =	vst v1  }
0xbd: {  	v1 =	vld.idx.msk [tilespmem:v2+s2+$0x0], $0xffff;
	_ =	sdelay $0x1  }
0xbe: {  	v2 =	vor.u32 $0x14, v0;
	_ =	sdelay $0x3  }
0xbf: {  	[tilespmem:s15+$0xC580] =	vst v1  }
0xc0: {  	v1 =	vld.idx.msk [tilespmem:v2+s2+$0x0], $0xffff;
	_ =	sdelay $0x1  }
0xc1: {  	v2 =	vor.u32 $0x15, v0;
	_ =	sdelay $0x3  }
0xc2: {  	[tilespmem:s15+$0xC600] =	vst v1  }
0xc3: {  	v1 =	vld.idx.msk [tilespmem:v2+s2+$0x0], $0xffff;
	_ =	sdelay $0x1  }
0xc4: {  	v2 =	vor.u32 $0x16, v0;
	_ =	sdelay $0x3  }
0xc5: {  	[tilespmem:s15+$0xC680] =	vst v1  }
0xc6: {  	v1 =	vld.idx.msk [tilespmem:v2+s2+$0x0], $0xffff;
	_ =	sdelay $0x1  }
0xc7: {  	v2 =	vor.u32 $0x17, v0;
	_ =	sdelay $0x3  }
0xc8: {  	[tilespmem:s15+$0xC700] =	vst v1  }
0xc9: {  	v1 =	vld.idx.msk [tilespmem:v2+s2+$0x0], $0xffff;
	_ =	sdelay $0x1  }
0xca: {  	v2 =	vor.u32 $0x18, v0;
	_ =	sdelay $0x3  }
0xcb: {  	[tilespmem:s15+$0xC780] =	vst v1  }
0xcc: {  	v1 =	vld.idx.msk [tilespmem:v2+s2+$0x0], $0xffff;
	_ =	sdelay $0x1  }
0xcd: {  	v2 =	vor.u32 $0x19, v0;
	_ =	sdelay $0x3  }
0xce: {  	[tilespmem:s15+$0xE400] =	vst v1  }
0xcf: {  	v1 =	vld.idx.msk [tilespmem:v2+s2+$0x0], $0xffff;
	_ =	sdelay $0x1  }
0xd0: {  	v2 =	vor.u32 $0x1A, v0;
	_ =	sdelay $0x3  }
0xd1: {  	[tilespmem:s15+$0xE480] =	vst v1  }
0xd2: {  	v1 =	vld.idx.msk [tilespmem:v2+s2+$0x0], $0xffff;
	_ =	sdelay $0x1  }
0xd3: {  	v2 =	vor.u32 $0x1B, v0;
	_ =	sdelay $0x3  }
0xd4: {  	[tilespmem:s15+$0xE500] =	vst v1  }
0xd5: {  	v1 =	vld.idx.msk [tilespmem:v2+s2+$0x0], $0xffff;
	_ =	sdelay $0x1  }
0xd6: {  	v2 =	vor.u32 $0x1C, v0;
	_ =	sdelay $0x3  }
0xd7: {  	[tilespmem:s15+$0xE580] =	vst v1  }
0xd8: {  	v1 =	vld.idx.msk [tilespmem:v2+s2+$0x0], $0xffff;
	_ =	sdelay $0x1  }
0xd9: {  	v2 =	vor.u32 $0x1D, v0;
	_ =	sdelay $0x3  }
0xda: {  	[tilespmem:s15+$0xE600] =	vst v1  }
0xdb: {  	v1 =	vld.idx.msk [tilespmem:v2+s2+$0x0], $0xffff;
	_ =	sdelay $0x1  }
0xdc: {  	v2 =	vor.u32 $0x1E, v0;
	_ =	sdelay $0x3  }
0xdd: {  	[tilespmem:s15+$0xE680] =	vst v1  }
0xde: {  	v1 =	vld.idx.msk [tilespmem:v2+s2+$0x0], $0xffff;
	_ =	sdelay $0x1  }
0xdf: {  	v0 =	vor.u32 $0x1F, v0  }
.Ltmp0:
0xe0: {  	(pc) =	sbr.rel @p0 .LBB2_2-.Ltmp0, $3  }
0xe1: {  	_ =	sdelay $0x1  }
0xe2: {  	[tilespmem:s15+$0xE700] =	vst v1  }
0xe3: {  	v0 =	vld.idx.msk [tilespmem:v0+s2+$0x0], $0xffff  }
0xe4: {  	_ =	sdelay $0x3  }
0xe5: {  	s14 =	simm.s32 $0x0;
	[tilespmem:s15+$0xE780] =	vst v0  }
0xe6: {  	[hbm4b:s5+s14] =	stream.linear.scatter [tilespmem:s12], [sflag:$0x1], $0x8000, $0x38;
	[tilespmem:$0x10400] =	vst v63  }
0xe7: {  	_ =	swait.ge [sflag:s9], $0x8000  }
0xe8: {  	[sflag:s9] =	ssyncset.done $0x0  }
0xe9: {  	s15 =	simm.s32 $0x8000;
	[sflag:s9] =	ssyncadd.s32 $0xFFFF8000  }
0xea: {  	[tilespmem:s15], [sflag:$0x1] =	stream.strided.gather [hbm4b:s6+s10], $0x400, s11, s10, $0x38;
	[tilespmem:$0x10400] =	vst v63  }
0xeb: {  	_ =	swait.ge [sflag:s9], $0x400  }
0xec: {  	[sflag:s9] =	ssyncset.done $0x0  }
0xed: {  	[sflag:s9] =	ssyncadd.s32 $0xFFFFFC00  }
0xee: {  	v0 =	vld [tilespmem:s15+$0x0];
	_ =	sdelay $0x4  }
0xef: {  	v0 =	vshll.u32 v0, $0x5;
	_ =	sdelay $0x4  }
0xf0: {  	v1 =	vld.idx.msk [tilespmem:v0+s2+$0x0], $0xffff  }
0xf1: {  	v2 =	vor.u32 $0x1, v0;
	_ =	sdelay $0x1  }
0xf2: {  	s16 =	sand.u32 $0x70, s14;
	s17 =	sand.u32 $0x1C00, s14  }
0xf3: {  	s16 =	sor.u32 s16, s17  }
0xf4: {  	[tilespmem:s16+$0x8400] =	vst v1  }
0xf5: {  	v1 =	vld.idx.msk [tilespmem:v2+s2+$0x0], $0xffff  }
0xf6: {  	v2 =	vor.u32 $0x2, v0;
	_ =	sdelay $0x3  }
0xf7: {  	[tilespmem:s16+$0x8480] =	vst v1  }
0xf8: {  	v1 =	vld.idx.msk [tilespmem:v2+s2+$0x0], $0xffff  }
0xf9: {  	v2 =	vor.u32 $0x3, v0;
	_ =	sdelay $0x3  }
0xfa: {  	[tilespmem:s16+$0x8500] =	vst v1  }
0xfb: {  	v1 =	vld.idx.msk [tilespmem:v2+s2+$0x0], $0xffff  }
0xfc: {  	v2 =	vor.u32 $0x4, v0;
	_ =	sdelay $0x3  }
0xfd: {  	[tilespmem:s16+$0x8580] =	vst v1  }
0xfe: {  	v1 =	vld.idx.msk [tilespmem:v2+s2+$0x0], $0xffff  }
0xff: {  	v2 =	vor.u32 $0x5, v0;
	_ =	sdelay $0x3  }
0x100: {  	[tilespmem:s16+$0x8600] =	vst v1  }
0x101: {  	v1 =	vld.idx.msk [tilespmem:v2+s2+$0x0], $0xffff  }
0x102: {  	v2 =	vor.u32 $0x6, v0;
	_ =	sdelay $0x3  }
0x103: {  	[tilespmem:s16+$0x8680] =	vst v1  }
0x104: {  	v1 =	vld.idx.msk [tilespmem:v2+s2+$0x0], $0xffff  }
0x105: {  	v2 =	vor.u32 $0x7, v0;
	_ =	sdelay $0x3  }
0x106: {  	[tilespmem:s16+$0x8700] =	vst v1  }
0x107: {  	v1 =	vld.idx.msk [tilespmem:v2+s2+$0x0], $0xffff  }
0x108: {  	v2 =	vor.u32 $0x8, v0;
	_ =	sdelay $0x1  }
0x109: {  	s31 =	sor.u32 s14, s14  }
0x10a: {  	s17 =	sor.u32 $0x380, s31  }
0x10b: {  	[tilespmem:s17+$0x8400] =	vst v1  }
0x10c: {  	v1 =	vld.idx.msk [tilespmem:v2+s2+$0x0], $0xffff  }
0x10d: {  	v2 =	vor.u32 $0x9, v0;
	_ =	sdelay $0x3  }
0x10e: {  	[tilespmem:s16+$0xA400] =	vst v1  }
0x10f: {  	v1 =	vld.idx.msk [tilespmem:v2+s2+$0x0], $0xffff  }
0x110: {  	v2 =	vor.u32 $0xA, v0;
	_ =	sdelay $0x3  }
0x111: {  	[tilespmem:s16+$0xA480] =	vst v1  }
0x112: {  	v1 =	vld.idx.msk [tilespmem:v2+s2+$0x0], $0xffff  }
0x113: {  	v2 =	vor.u32 $0xB, v0;
	_ =	sdelay $0x3  }
0x114: {  	[tilespmem:s16+$0xA500] =	vst v1  }
0x115: {  	v1 =	vld.idx.msk [tilespmem:v2+s2+$0x0], $0xffff  }
0x116: {  	v2 =	vor.u32 $0xC, v0;
	_ =	sdelay $0x3  }
0x117: {  	[tilespmem:s16+$0xA580] =	vst v1  }
0x118: {  	v1 =	vld.idx.msk [tilespmem:v2+s2+$0x0], $0xffff  }
0x119: {  	v2 =	vor.u32 $0xD, v0;
	_ =	sdelay $0x3  }
0x11a: {  	[tilespmem:s16+$0xA600] =	vst v1  }
0x11b: {  	v1 =	vld.idx.msk [tilespmem:v2+s2+$0x0], $0xffff  }
0x11c: {  	v2 =	vor.u32 $0xE, v0;
	_ =	sdelay $0x3  }
0x11d: {  	[tilespmem:s16+$0xA680] =	vst v1  }
0x11e: {  	v1 =	vld.idx.msk [tilespmem:v2+s2+$0x0], $0xffff  }
0x11f: {  	v2 =	vor.u32 $0xF, v0;
	_ =	sdelay $0x3  }
0x120: {  	[tilespmem:s16+$0xA700] =	vst v1  }
0x121: {  	v1 =	vld.idx.msk [tilespmem:v2+s2+$0x0], $0xffff  }
0x122: {  	v2 =	vor.u32 $0x10, v0;
	_ =	sdelay $0x3  }
0x123: {  	[tilespmem:s16+$0xA780] =	vst v1  }
0x124: {  	v1 =	vld.idx.msk [tilespmem:v2+s2+$0x0], $0xffff  }
0x125: {  	v2 =	vor.u32 $0x11, v0;
	_ =	sdelay $0x3  }
0x126: {  	[tilespmem:s16+$0xC400] =	vst v1  }
0x127: {  	v1 =	vld.idx.msk [tilespmem:v2+s2+$0x0], $0xffff  }
0x128: {  	v2 =	vor.u32 $0x12, v0;
	_ =	sdelay $0x3  }
0x129: {  	[tilespmem:s16+$0xC480] =	vst v1  }
0x12a: {  	v1 =	vld.idx.msk [tilespmem:v2+s2+$0x0], $0xffff  }
0x12b: {  	v2 =	vor.u32 $0x13, v0;
	_ =	sdelay $0x3  }
0x12c: {  	[tilespmem:s16+$0xC500] =	vst v1  }
0x12d: {  	v1 =	vld.idx.msk [tilespmem:v2+s2+$0x0], $0xffff  }
0x12e: {  	v2 =	vor.u32 $0x14, v0;
	_ =	sdelay $0x3  }
0x12f: {  	[tilespmem:s16+$0xC580] =	vst v1  }
0x130: {  	v1 =	vld.idx.msk [tilespmem:v2+s2+$0x0], $0xffff  }
0x131: {  	v2 =	vor.u32 $0x15, v0;
	_ =	sdelay $0x3  }
0x132: {  	[tilespmem:s16+$0xC600] =	vst v1  }
0x133: {  	v1 =	vld.idx.msk [tilespmem:v2+s2+$0x0], $0xffff  }
0x134: {  	v2 =	vor.u32 $0x16, v0;
	_ =	sdelay $0x3  }
0x135: {  	[tilespmem:s16+$0xC680] =	vst v1  }
0x136: {  	v1 =	vld.idx.msk [tilespmem:v2+s2+$0x0], $0xffff  }
0x137: {  	v2 =	vor.u32 $0x17, v0;
	_ =	sdelay $0x3  }
0x138: {  	[tilespmem:s16+$0xC700] =	vst v1  }
0x139: {  	v1 =	vld.idx.msk [tilespmem:v2+s2+$0x0], $0xffff  }
0x13a: {  	v2 =	vor.u32 $0x18, v0;
	_ =	sdelay $0x3  }
0x13b: {  	[tilespmem:s16+$0xC780] =	vst v1  }
0x13c: {  	v1 =	vld.idx.msk [tilespmem:v2+s2+$0x0], $0xffff  }
0x13d: {  	v2 =	vor.u32 $0x19, v0;
	_ =	sdelay $0x3  }
0x13e: {  	[tilespmem:s16+$0xE400] =	vst v1  }
0x13f: {  	v1 =	vld.idx.msk [tilespmem:v2+s2+$0x0], $0xffff  }
0x140: {  	v2 =	vor.u32 $0x1A, v0;
	_ =	sdelay $0x3  }
0x141: {  	[tilespmem:s16+$0xE480] =	vst v1  }
0x142: {  	v1 =	vld.idx.msk [tilespmem:v2+s2+$0x0], $0xffff  }
0x143: {  	v2 =	vor.u32 $0x1B, v0;
	_ =	sdelay $0x3  }
0x144: {  	[tilespmem:s16+$0xE500] =	vst v1  }
0x145: {  	v1 =	vld.idx.msk [tilespmem:v2+s2+$0x0], $0xffff  }
0x146: {  	v2 =	vor.u32 $0x1C, v0;
	_ =	sdelay $0x3  }
0x147: {  	[tilespmem:s16+$0xE580] =	vst v1  }
0x148: {  	v1 =	vld.idx.msk [tilespmem:v2+s2+$0x0], $0xffff  }
0x149: {  	v2 =	vor.u32 $0x1D, v0;
	_ =	sdelay $0x3  }
0x14a: {  	[tilespmem:s16+$0xE600] =	vst v1  }
0x14b: {  	v1 =	vld.idx.msk [tilespmem:v2+s2+$0x0], $0xffff  }
0x14c: {  	v2 =	vor.u32 $0x1E, v0;
	_ =	sdelay $0x3  }
0x14d: {  	[tilespmem:s16+$0xE680] =	vst v1  }
0x14e: {  	v1 =	vld.idx.msk [tilespmem:v2+s2+$0x0], $0xffff  }
0x14f: {  	v0 =	vor.u32 $0x1F, v0;
	_ =	sdelay $0x3  }
0x150: {  	[tilespmem:s16+$0xE700] =	vst v1  }
0x151: {  	s17 =	simm.s32 $0x10;
	v0 =	vld.idx.msk [tilespmem:v0+s2+$0x0], $0xffff  }
.LBB2_4:
0x152: {  	_ =	sdelay $0x3  }
0x153: {  	p0 =	sne.s32 s17, $0x3F0;
	s14 =	sadd.s32 $0x80, s14;
	s15 =	sadd.s32 $0x10, s15;
	[tilespmem:s16+$0xE780] =	vst v0  }
0x154: {  	s18 =	smov.u32 s17;
	s17 =	sadd.s32 $0x10, s17;
	v0 =	vld [tilespmem:s15+$0x0];
	_ =	sdelay $0x4  }
0x155: {  	v0 =	vshll.u32 v0, $0x5;
	_ =	sdelay $0x4  }
0x156: {  	v1 =	vld.idx.msk [tilespmem:v0+s2+$0x0], $0xffff;
	_ =	sdelay $0x1  }
0x157: {  	v2 =	vor.u32 $0x1, v0;
	_ =	sdelay $0x1  }
0x158: {  	s19 =	sand.u32 $0x1C00, s14;
	s16 =	sand.u32 $0x70, s18  }
0x159: {  	s16 =	sor.u32 s16, s19  }
0x15a: {  	[tilespmem:s16+$0x8400] =	vst v1  }
0x15b: {  	v1 =	vld.idx.msk [tilespmem:v2+s2+$0x0], $0xffff;
	_ =	sdelay $0x1  }
0x15c: {  	v2 =	vor.u32 $0x2, v0;
	_ =	sdelay $0x3  }
0x15d: {  	[tilespmem:s16+$0x8480] =	vst v1  }
0x15e: {  	v1 =	vld.idx.msk [tilespmem:v2+s2+$0x0], $0xffff;
	_ =	sdelay $0x1  }
0x15f: {  	v2 =	vor.u32 $0x3, v0;
	_ =	sdelay $0x3  }
0x160: {  	[tilespmem:s16+$0x8500] =	vst v1  }
0x161: {  	v1 =	vld.idx.msk [tilespmem:v2+s2+$0x0], $0xffff;
	_ =	sdelay $0x1  }
0x162: {  	v2 =	vor.u32 $0x4, v0;
	_ =	sdelay $0x3  }
0x163: {  	[tilespmem:s16+$0x8580] =	vst v1  }
0x164: {  	v1 =	vld.idx.msk [tilespmem:v2+s2+$0x0], $0xffff;
	_ =	sdelay $0x1  }
0x165: {  	v2 =	vor.u32 $0x5, v0;
	_ =	sdelay $0x3  }
0x166: {  	[tilespmem:s16+$0x8600] =	vst v1  }
0x167: {  	v1 =	vld.idx.msk [tilespmem:v2+s2+$0x0], $0xffff;
	_ =	sdelay $0x1  }
0x168: {  	v2 =	vor.u32 $0x6, v0;
	_ =	sdelay $0x3  }
0x169: {  	[tilespmem:s16+$0x8680] =	vst v1  }
0x16a: {  	v1 =	vld.idx.msk [tilespmem:v2+s2+$0x0], $0xffff;
	_ =	sdelay $0x1  }
0x16b: {  	v2 =	vor.u32 $0x7, v0;
	_ =	sdelay $0x3  }
0x16c: {  	[tilespmem:s16+$0x8700] =	vst v1  }
0x16d: {  	v1 =	vld.idx.msk [tilespmem:v2+s2+$0x0], $0xffff;
	_ =	sdelay $0x1  }
0x16e: {  	v2 =	vor.u32 $0x8, v0;
	_ =	sdelay $0x1  }
0x16f: {  	s18 =	sor.u32 s14, s18  }
0x170: {  	s18 =	sor.u32 $0x380, s18  }
0x171: {  	[tilespmem:s18+$0x8400] =	vst v1  }
0x172: {  	v1 =	vld.idx.msk [tilespmem:v2+s2+$0x0], $0xffff;
	_ =	sdelay $0x1  }
0x173: {  	v2 =	vor.u32 $0x9, v0;
	_ =	sdelay $0x3  }
0x174: {  	[tilespmem:s16+$0xA400] =	vst v1  }
0x175: {  	v1 =	vld.idx.msk [tilespmem:v2+s2+$0x0], $0xffff;
	_ =	sdelay $0x1  }
0x176: {  	v2 =	vor.u32 $0xA, v0;
	_ =	sdelay $0x3  }
0x177: {  	[tilespmem:s16+$0xA480] =	vst v1  }
0x178: {  	v1 =	vld.idx.msk [tilespmem:v2+s2+$0x0], $0xffff;
	_ =	sdelay $0x1  }
0x179: {  	v2 =	vor.u32 $0xB, v0;
	_ =	sdelay $0x3  }
0x17a: {  	[tilespmem:s16+$0xA500] =	vst v1  }
0x17b: {  	v1 =	vld.idx.msk [tilespmem:v2+s2+$0x0], $0xffff;
	_ =	sdelay $0x1  }
0x17c: {  	v2 =	vor.u32 $0xC, v0;
	_ =	sdelay $0x3  }
0x17d: {  	[tilespmem:s16+$0xA580] =	vst v1  }
0x17e: {  	v1 =	vld.idx.msk [tilespmem:v2+s2+$0x0], $0xffff;
	_ =	sdelay $0x1  }
0x17f: {  	v2 =	vor.u32 $0xD, v0;
	_ =	sdelay $0x3  }
0x180: {  	[tilespmem:s16+$0xA600] =	vst v1  }
0x181: {  	v1 =	vld.idx.msk [tilespmem:v2+s2+$0x0], $0xffff;
	_ =	sdelay $0x1  }
0x182: {  	v2 =	vor.u32 $0xE, v0;
	_ =	sdelay $0x3  }
0x183: {  	[tilespmem:s16+$0xA680] =	vst v1  }
0x184: {  	v1 =	vld.idx.msk [tilespmem:v2+s2+$0x0], $0xffff;
	_ =	sdelay $0x1  }
0x185: {  	v2 =	vor.u32 $0xF, v0;
	_ =	sdelay $0x3  }
0x186: {  	[tilespmem:s16+$0xA700] =	vst v1  }
0x187: {  	v1 =	vld.idx.msk [tilespmem:v2+s2+$0x0], $0xffff;
	_ =	sdelay $0x1  }
0x188: {  	v2 =	vor.u32 $0x10, v0;
	_ =	sdelay $0x3  }
0x189: {  	[tilespmem:s16+$0xA780] =	vst v1  }
0x18a: {  	v1 =	vld.idx.msk [tilespmem:v2+s2+$0x0], $0xffff;
	_ =	sdelay $0x1  }
0x18b: {  	v2 =	vor.u32 $0x11, v0;
	_ =	sdelay $0x3  }
0x18c: {  	[tilespmem:s16+$0xC400] =	vst v1  }
0x18d: {  	v1 =	vld.idx.msk [tilespmem:v2+s2+$0x0], $0xffff;
	_ =	sdelay $0x1  }
0x18e: {  	v2 =	vor.u32 $0x12, v0;
	_ =	sdelay $0x3  }
0x18f: {  	[tilespmem:s16+$0xC480] =	vst v1  }
0x190: {  	v1 =	vld.idx.msk [tilespmem:v2+s2+$0x0], $0xffff;
	_ =	sdelay $0x1  }
0x191: {  	v2 =	vor.u32 $0x13, v0;
	_ =	sdelay $0x3  }
0x192: {  	[tilespmem:s16+$0xC500] =	vst v1  }
0x193: {  	v1 =	vld.idx.msk [tilespmem:v2+s2+$0x0], $0xffff;
	_ =	sdelay $0x1  }
0x194: {  	v2 =	vor.u32 $0x14, v0;
	_ =	sdelay $0x3  }
0x195: {  	[tilespmem:s16+$0xC580] =	vst v1  }
0x196: {  	v1 =	vld.idx.msk [tilespmem:v2+s2+$0x0], $0xffff;
	_ =	sdelay $0x1  }
0x197: {  	v2 =	vor.u32 $0x15, v0;
	_ =	sdelay $0x3  }
0x198: {  	[tilespmem:s16+$0xC600] =	vst v1  }
0x199: {  	v1 =	vld.idx.msk [tilespmem:v2+s2+$0x0], $0xffff;
	_ =	sdelay $0x1  }
0x19a: {  	v2 =	vor.u32 $0x16, v0;
	_ =	sdelay $0x3  }
0x19b: {  	[tilespmem:s16+$0xC680] =	vst v1  }
0x19c: {  	v1 =	vld.idx.msk [tilespmem:v2+s2+$0x0], $0xffff;
	_ =	sdelay $0x1  }
0x19d: {  	v2 =	vor.u32 $0x17, v0;
	_ =	sdelay $0x3  }
0x19e: {  	[tilespmem:s16+$0xC700] =	vst v1  }
0x19f: {  	v1 =	vld.idx.msk [tilespmem:v2+s2+$0x0], $0xffff;
	_ =	sdelay $0x1  }
0x1a0: {  	v2 =	vor.u32 $0x18, v0;
	_ =	sdelay $0x3  }
0x1a1: {  	[tilespmem:s16+$0xC780] =	vst v1  }
0x1a2: {  	v1 =	vld.idx.msk [tilespmem:v2+s2+$0x0], $0xffff;
	_ =	sdelay $0x1  }
0x1a3: {  	v2 =	vor.u32 $0x19, v0;
	_ =	sdelay $0x3  }
0x1a4: {  	[tilespmem:s16+$0xE400] =	vst v1  }
0x1a5: {  	v1 =	vld.idx.msk [tilespmem:v2+s2+$0x0], $0xffff;
	_ =	sdelay $0x1  }
0x1a6: {  	v2 =	vor.u32 $0x1A, v0;
	_ =	sdelay $0x3  }
0x1a7: {  	[tilespmem:s16+$0xE480] =	vst v1  }
0x1a8: {  	v1 =	vld.idx.msk [tilespmem:v2+s2+$0x0], $0xffff;
	_ =	sdelay $0x1  }
0x1a9: {  	v2 =	vor.u32 $0x1B, v0;
	_ =	sdelay $0x3  }
0x1aa: {  	[tilespmem:s16+$0xE500] =	vst v1  }
0x1ab: {  	v1 =	vld.idx.msk [tilespmem:v2+s2+$0x0], $0xffff;
	_ =	sdelay $0x1  }
0x1ac: {  	v2 =	vor.u32 $0x1C, v0;
	_ =	sdelay $0x3  }
0x1ad: {  	[tilespmem:s16+$0xE580] =	vst v1  }
0x1ae: {  	v1 =	vld.idx.msk [tilespmem:v2+s2+$0x0], $0xffff;
	_ =	sdelay $0x1  }
0x1af: {  	v2 =	vor.u32 $0x1D, v0;
	_ =	sdelay $0x3  }
0x1b0: {  	[tilespmem:s16+$0xE600] =	vst v1  }
0x1b1: {  	v1 =	vld.idx.msk [tilespmem:v2+s2+$0x0], $0xffff;
	_ =	sdelay $0x1  }
0x1b2: {  	v2 =	vor.u32 $0x1E, v0;
	_ =	sdelay $0x3  }
0x1b3: {  	[tilespmem:s16+$0xE680] =	vst v1  }
0x1b4: {  	v1 =	vld.idx.msk [tilespmem:v2+s2+$0x0], $0xffff;
	_ =	sdelay $0x1  }
0x1b5: {  	v0 =	vor.u32 $0x1F, v0  }
.Ltmp1:
0x1b6: {  	(pc) =	sbr.rel @p0 .LBB2_4-.Ltmp1, $3  }
0x1b7: {  	_ =	sdelay $0x1  }
0x1b8: {  	[tilespmem:s16+$0xE700] =	vst v1  }
0x1b9: {  	v0 =	vld.idx.msk [tilespmem:v0+s2+$0x0], $0xffff  }
0x1ba: {  	_ =	sdelay $0x1  }
0x1bb: {  	s13 =	sadd.s32 $0x1, s13  }
0x1bc: {  	p0 =	sne.s32 s13, s8  }
.Ltmp2:
0x1bd: {  	[tilespmem:s16+$0xE780] =	vst v0;
	(pc) =	sbr.rel @p0 .LBB2_1-.Ltmp2, $4  }
0x1be: {  	[hbm4b:s7+s2] =	stream.linear.scatter [tilespmem:s12], [sflag:$0x1], $0x8000, $0x38;
	[tilespmem:$0x10400] =	vst v63  }
0x1bf: {  	_ =	swait.ge [sflag:s9], $0x8000  }
0x1c0: {  	[sflag:s9] =	ssyncset.done $0x0  }
0x1c1: {  	[sflag:s9] =	ssyncadd.s32 $0xFFFF8000  }
0x1c2: {  	_ =	sfence.sel $0x180000  }
0x1c3: {  	[bflag:$0x0] =	sbarrier.arrive $0xFFFF  }
0x1c4: {  	p0 =	sne.s32 s1, $0x0;
	_ =	strace $0x90000047  }
0x1c5: {  	s0 =	sadd.s32 @!p0 $0x100000, s0;
	[bflag:$0x2] =	sbarrier.arrive $0xFFFF  }
0x1c6: {  	[sflag:s0] =	ssyncadd.tile.s32 @!p0 $0x1;
	_ =	shalt  }
.Lfunc_end2:
_tile_overlayer_lowered:
.L_overlay_start_2:
0x1c7: {  	(tag) =	ssettag $0x2  }
0x1c8: {  	s0 =	rddreg [dreg:$0x0];
	s2 =	stileid.u32  }
0x1c9: {  	s1 =	rddreg [dreg:$0x1];
	p0 =	sne.s32 s2, $0x0  }
0x1ca: {  	s3 =	rddreg [dreg:$0x2];
	[bflag:$0x3] =	sbarrier.arrive $0xFFFF;
	s2 =	simm.s32 @!p0 $0x1C01  }
0x1cb: {  	[timem:s3], [sflag:s2] =	dma.local @!p0 [hbm:s0], s1  }
0x1cc: {  	s0 =	simm.s32 @!p0 $0x1  }
0x1cd: {  	_ =	swait.ge @!p0 [sflag:s0], s1  }
0x1ce: {  	s1 =	ssub.s32 @!p0 $0x0, s1;
	[sflag:s0] =	ssyncset.done @!p0 $0x0  }
0x1cf: {  	[sflag:s0] =	ssyncadd.s32 @!p0 s1  }
0x1d0: {  	[bflag:$0x3] =	sbarrier.arrive $0xFFFF  }
0x1d1: {  	_ =	shalt  }

</sc_bundles>
